<compile_context>
chip_gen: v7x
topology: tpu7x:2x2x1
jax: 0.10.2.dev20260603
libtpu: 0.0.44.dev20260713+nightly
codegen_flags: <defaults>
</compile_context>

<pallas_src>
import functools

import jax
import jax.numpy as jnp
from jax import lax
from jax.experimental import pallas as pl
from jax.experimental.pallas import tpu as pltpu
from jax.experimental.pallas import tpu_sc as plsc

_SEQ = 8192
_DIM = 1024
_NC = 2
_NS = 16
_NW = _NC * _NS
_ROWS_PER_W = _SEQ // _NW
_CHUNK = 16
_NSTEP = _ROWS_PER_W // _CHUNK
_NBUF = 7
_LAZY = 3


def _copy_body(table_hbm, out_hbm, buf, in_sems, out_sems):
    wid = lax.axis_index("s") * _NC + lax.axis_index("c")
    base = wid * _ROWS_PER_W

    def read(i):
        return pltpu.make_async_copy(
            table_hbm.at[pl.ds(base + i * _CHUNK, _CHUNK)],
            buf.at[i % _NBUF],
            in_sems.at[i % _NBUF],
        )

    def write(i):
        return pltpu.make_async_copy(
            buf.at[i % _NBUF],
            out_hbm.at[0, pl.ds(base + i * _CHUNK, _CHUNK)],
            out_sems.at[i % _NBUF],
        )

    waited = [False] * _NSTEP
    for i in range(min(_NBUF, _NSTEP)):
        read(i).start()
    for i in range(_NSTEP):
        read(i).wait()
        write(i).start()
        j = i - _LAZY
        if j >= 0 and j + _NBUF < _NSTEP:
            write(j).wait()
            waited[j] = True
            read(j + _NBUF).start()
    for i in range(_NSTEP):
        if not waited[i]:
            write(i).wait()


@jax.jit
def _positional_copy(emb_weight):
    mesh = plsc.VectorSubcoreMesh(core_axis_name="c", subcore_axis_name="s")
    k = functools.partial(
        pl.kernel,
        mesh=mesh,
        out_type=jax.ShapeDtypeStruct((1, _SEQ, _DIM), jnp.float32),
        scratch_types=[
            pltpu.VMEM((_NBUF, _CHUNK, _DIM), jnp.float32),
            pltpu.SemaphoreType.DMA((_NBUF,)),
            pltpu.SemaphoreType.DMA((_NBUF,)),
        ],
    )(_copy_body)
    return k(emb_weight)


def kernel(x, emb_weight):
    del x
    return _positional_copy(emb_weight)

# --- scband reference (transcript-rebuilt; emitter-appended) ---
"""Pipeline reference for scband-absolute-positional-embedding-558345749078 (READ-ONLY COPY).

The authoritative reference and input builder live on the scoring server;
editing this copy changes nothing except your own understanding.
"""

import jax, jax.numpy as jnp
import numpy as np


def setup_inputs(seed: int = 0) -> dict:
    key = jax.random.key(seed)
    k1, k2 = jax.random.split(key)
    # x: token ids (only its shape[1] is used by the module)
    x = jax.random.randint(k1, (4, 8192), 0, 8192, dtype=jnp.int32)
    # learned positional embedding table: nn.Embedding(max_seq_len=8192, dim=1024), init normal std=0.02
    emb_weight = 0.02 * jax.random.normal(k2, (8192, 1024), dtype=jnp.float32)
    return {"x": x, "emb_weight": emb_weight}


def reference(x, emb_weight):
    # n = torch.arange(x.shape[1]); return self.emb(n)[None, :, :]
    n = jnp.arange(x.shape[1])
    out = jnp.take(emb_weight, n, axis=0)[None, :, :]
    return out

if __name__ == "__main__":
    import jax
    _d = setup_inputs()
    print(jax.jit(kernel)(*tuple(_d.values())))

</pallas_src>

<mosaic_0001>
#map = affine_map<(d0, d1) -> (0, 0)>
#map1 = affine_map<(d0, d1) -> (0, 0, 0)>
module attributes {stable_mosaic.version = 14 : i64} {
  func.func @_copy_body(%arg0: i32, %arg1: i32, %arg2: memref<8192x1024xf32, #tpu.memory_space<hbm>>, %arg3: memref<1x8192x1024xf32, #tpu.memory_space<hbm>>, %arg4: memref<7x16x1024xf32, #tpu.memory_space<vmem>>, %arg5: memref<7x!tpu.dma_semaphore, #tpu.memory_space<semaphore_mem>>, %arg6: memref<7x!tpu.dma_semaphore, #tpu.memory_space<semaphore_mem>>) attributes {dimension_semantics = [#tpu.dimension_semantics<core_parallel>, #tpu.dimension_semantics<subcore_parallel>], iteration_bounds = array<i64: 2, 16>, scalar_prefetch = 0 : i64, scratch_operands = 3 : i64, tpu.core_type = #tpu.core_type<sc_vector_subcore>, window_params = [{transform_indices = #map}, {transform_indices = #map1}]} {
    %mul3A = arith.constant 2 : i32
    %mul3A_0 = arith.muli %arg1, %mul3A : i32
    %add3A = arith.addi %mul3A_0, %arg0 : i32
    %mul3A_1 = arith.constant 256 : i32
    %mul3A_2 = arith.muli %add3A, %mul3A_1 : i32
    %add3A_3 = arith.constant 0 : i32
    %add3A_4 = arith.addi %mul3A_2, %add3A_3 : i32
    %dma_start3A = arith.constant 0 : i32
    %dma_start3A_5 = arith.constant 0 : i32
    %dma_start3A_6 = arith.constant 0 : i32
    %dma_start3A_7 = arith.constant 0 : i32
    %dma_start3A_8 = tpu.memref_slice %arg4[%dma_start3A, %dma_start3A_6, %dma_start3A_7] : memref<7x16x1024xf32, #tpu.memory_space<vmem>> -> memref<1x16x1024xf32, #tpu.memory_space<vmem>>
    %dma_start3A_9 = tpu.memref_squeeze %dma_start3A_8 : memref<1x16x1024xf32, #tpu.memory_space<vmem>> -> memref<16x1024xf32, #tpu.memory_space<vmem>>
    %dma_start3A_10 = arith.constant 0 : i32
    %dma_start3A_11 = tpu.memref_slice %arg2[%add3A_4, %dma_start3A_10] : memref<8192x1024xf32, #tpu.memory_space<hbm>> -> memref<16x1024xf32, #tpu.memory_space<hbm>>
    %dma_start3A_12 = tpu.memref_slice %arg5[%dma_start3A_5] : memref<7x!tpu.dma_semaphore, #tpu.memory_space<semaphore_mem>> -> memref<1x!tpu.dma_semaphore, #tpu.memory_space<semaphore_mem>>
    %dma_start3A_13 = tpu.memref_squeeze %dma_start3A_12 : memref<1x!tpu.dma_semaphore, #tpu.memory_space<semaphore_mem>> -> memref<!tpu.dma_semaphore, #tpu.memory_space<semaphore_mem>>
    %dma_start3A_14 = arith.constant 0 : i32
    %dma_start3A_15 = arith.constant 0 : i32
    %dma_start3A_16 = tpu.memref_slice %arg4[%dma_start3A, %dma_start3A_14, %dma_start3A_15] : memref<7x16x1024xf32, #tpu.memory_space<vmem>> -> memref<1x16x1024xf32, #tpu.memory_space<vmem>>
    %dma_start3A_17 = tpu.memref_squeeze %dma_start3A_16 : memref<1x16x1024xf32, #tpu.memory_space<vmem>> -> memref<16x1024xf32, #tpu.memory_space<vmem>>
    %dma_start3A_18 = arith.constant 0 : i32
    %dma_start3A_19 = tpu.memref_slice %arg2[%add3A_4, %dma_start3A_18] : memref<8192x1024xf32, #tpu.memory_space<hbm>> -> memref<16x1024xf32, #tpu.memory_space<hbm>>
    tpu.enqueue_dma source(%dma_start3A_19 : memref<16x1024xf32, #tpu.memory_space<hbm>>) target(%dma_start3A_17 : memref<16x1024xf32, #tpu.memory_space<vmem>>) target_semaphore(%dma_start3A_13 : memref<!tpu.dma_semaphore, #tpu.memory_space<semaphore_mem>>)
    %add3A_20 = arith.constant 16 : i32
    %add3A_21 = arith.addi %mul3A_2, %add3A_20 : i32
    %dma_start3A_22 = arith.constant 1 : i32
    %dma_start3A_23 = arith.constant 1 : i32
    %dma_start3A_24 = arith.constant 0 : i32
    %dma_start3A_25 = arith.constant 0 : i32
    %dma_start3A_26 = tpu.memref_slice %arg4[%dma_start3A_22, %dma_start3A_24, %dma_start3A_25] : memref<7x16x1024xf32, #tpu.memory_space<vmem>> -> memref<1x16x1024xf32, #tpu.memory_space<vmem>>
    %dma_start3A_27 = tpu.memref_squeeze %dma_start3A_26 : memref<1x16x1024xf32, #tpu.memory_space<vmem>> -> memref<16x1024xf32, #tpu.memory_space<vmem>>
    %dma_start3A_28 = arith.constant 0 : i32
    %dma_start3A_29 = tpu.memref_slice %arg2[%add3A_21, %dma_start3A_28] : memref<8192x1024xf32, #tpu.memory_space<hbm>> -> memref<16x1024xf32, #tpu.memory_space<hbm>>
    %dma_start3A_30 = tpu.memref_slice %arg5[%dma_start3A_23] : memref<7x!tpu.dma_semaphore, #tpu.memory_space<semaphore_mem>> -> memref<1x!tpu.dma_semaphore, #tpu.memory_space<semaphore_mem>>
    %dma_start3A_31 = tpu.memref_squeeze %dma_start3A_30 : memref<1x!tpu.dma_semaphore, #tpu.memory_space<semaphore_mem>> -> memref<!tpu.dma_semaphore, #tpu.memory_space<semaphore_mem>>
    %dma_start3A_32 = arith.constant 0 : i32
    %dma_start3A_33 = arith.constant 0 : i32
    %dma_start3A_34 = tpu.memref_slice %arg4[%dma_start3A_22, %dma_start3A_32, %dma_start3A_33] : memref<7x16x1024xf32, #tpu.memory_space<vmem>> -> memref<1x16x1024xf32, #tpu.memory_space<vmem>>
    %dma_start3A_35 = tpu.memref_squeeze %dma_start3A_34 : memref<1x16x1024xf32, #tpu.memory_space<vmem>> -> memref<16x1024xf32, #tpu.memory_space<vmem>>
    %dma_start3A_36 = arith.constant 0 : i32
    %dma_start3A_37 = tpu.memref_slice %arg2[%add3A_21, %dma_start3A_36] : memref<8192x1024xf32, #tpu.memory_space<hbm>> -> memref<16x1024xf32, #tpu.memory_space<hbm>>
    tpu.enqueue_dma source(%dma_start3A_37 : memref<16x1024xf32, #tpu.memory_space<hbm>>) target(%dma_start3A_35 : memref<16x1024xf32, #tpu.memory_space<vmem>>) target_semaphore(%dma_start3A_31 : memref<!tpu.dma_semaphore, #tpu.memory_space<semaphore_mem>>)
    %add3A_38 = arith.constant 32 : i32
    %add3A_39 = arith.addi %mul3A_2, %add3A_38 : i32
    %dma_start3A_40 = arith.constant 2 : i32
    %dma_start3A_41 = arith.constant 2 : i32
    %dma_start3A_42 = arith.constant 0 : i32
    %dma_start3A_43 = arith.constant 0 : i32
    %dma_start3A_44 = tpu.memref_slice %arg4[%dma_start3A_40, %dma_start3A_42, %dma_start3A_43] : memref<7x16x1024xf32, #tpu.memory_space<vmem>> -> memref<1x16x1024xf32, #tpu.memory_space<vmem>>
    %dma_start3A_45 = tpu.memref_squeeze %dma_start3A_44 : memref<1x16x1024xf32, #tpu.memory_space<vmem>> -> memref<16x1024xf32, #tpu.memory_space<vmem>>
    %dma_start3A_46 = arith.constant 0 : i32
    %dma_start3A_47 = tpu.memref_slice %arg2[%add3A_39, %dma_start3A_46] : memref<8192x1024xf32, #tpu.memory_space<hbm>> -> memref<16x1024xf32, #tpu.memory_space<hbm>>
    %dma_start3A_48 = tpu.memref_slice %arg5[%dma_start3A_41] : memref<7x!tpu.dma_semaphore, #tpu.memory_space<semaphore_mem>> -> memref<1x!tpu.dma_semaphore, #tpu.memory_space<semaphore_mem>>
    %dma_start3A_49 = tpu.memref_squeeze %dma_start3A_48 : memref<1x!tpu.dma_semaphore, #tpu.memory_space<semaphore_mem>> -> memref<!tpu.dma_semaphore, #tpu.memory_space<semaphore_mem>>
    %dma_start3A_50 = arith.constant 0 : i32
    %dma_start3A_51 = arith.constant 0 : i32
    %dma_start3A_52 = tpu.memref_slice %arg4[%dma_start3A_40, %dma_start3A_50, %dma_start3A_51] : memref<7x16x1024xf32, #tpu.memory_space<vmem>> -> memref<1x16x1024xf32, #tpu.memory_space<vmem>>
    %dma_start3A_53 = tpu.memref_squeeze %dma_start3A_52 : memref<1x16x1024xf32, #tpu.memory_space<vmem>> -> memref<16x1024xf32, #tpu.memory_space<vmem>>
    %dma_start3A_54 = arith.constant 0 : i32
    %dma_start3A_55 = tpu.memref_slice %arg2[%add3A_39, %dma_start3A_54] : memref<8192x1024xf32, #tpu.memory_space<hbm>> -> memref<16x1024xf32, #tpu.memory_space<hbm>>
    tpu.enqueue_dma source(%dma_start3A_55 : memref<16x1024xf32, #tpu.memory_space<hbm>>) target(%dma_start3A_53 : memref<16x1024xf32, #tpu.memory_space<vmem>>) target_semaphore(%dma_start3A_49 : memref<!tpu.dma_semaphore, #tpu.memory_space<semaphore_mem>>)
    %add3A_56 = arith.constant 48 : i32
    %add3A_57 = arith.addi %mul3A_2, %add3A_56 : i32
    %dma_start3A_58 = arith.constant 3 : i32
    %dma_start3A_59 = arith.constant 3 : i32
    %dma_start3A_60 = arith.constant 0 : i32
    %dma_start3A_61 = arith.constant 0 : i32
    %dma_start3A_62 = tpu.memref_slice %arg4[%dma_start3A_58, %dma_start3A_60, %dma_start3A_61] : memref<7x16x1024xf32, #tpu.memory_space<vmem>> -> memref<1x16x1024xf32, #tpu.memory_space<vmem>>
    %dma_start3A_63 = tpu.memref_squeeze %dma_start3A_62 : memref<1x16x1024xf32, #tpu.memory_space<vmem>> -> memref<16x1024xf32, #tpu.memory_space<vmem>>
    %dma_start3A_64 = arith.constant 0 : i32
    %dma_start3A_65 = tpu.memref_slice %arg2[%add3A_57, %dma_start3A_64] : memref<8192x1024xf32, #tpu.memory_space<hbm>> -> memref<16x1024xf32, #tpu.memory_space<hbm>>
    %dma_start3A_66 = tpu.memref_slice %arg5[%dma_start3A_59] : memref<7x!tpu.dma_semaphore, #tpu.memory_space<semaphore_mem>> -> memref<1x!tpu.dma_semaphore, #tpu.memory_space<semaphore_mem>>
    %dma_start3A_67 = tpu.memref_squeeze %dma_start3A_66 : memref<1x!tpu.dma_semaphore, #tpu.memory_space<semaphore_mem>> -> memref<!tpu.dma_semaphore, #tpu.memory_space<semaphore_mem>>
    %dma_start3A_68 = arith.constant 0 : i32
    %dma_start3A_69 = arith.constant 0 : i32
    %dma_start3A_70 = tpu.memref_slice %arg4[%dma_start3A_58, %dma_start3A_68, %dma_start3A_69] : memref<7x16x1024xf32, #tpu.memory_space<vmem>> -> memref<1x16x1024xf32, #tpu.memory_space<vmem>>
    %dma_start3A_71 = tpu.memref_squeeze %dma_start3A_70 : memref<1x16x1024xf32, #tpu.memory_space<vmem>> -> memref<16x1024xf32, #tpu.memory_space<vmem>>
    %dma_start3A_72 = arith.constant 0 : i32
    %dma_start3A_73 = tpu.memref_slice %arg2[%add3A_57, %dma_start3A_72] : memref<8192x1024xf32, #tpu.memory_space<hbm>> -> memref<16x1024xf32, #tpu.memory_space<hbm>>
    tpu.enqueue_dma source(%dma_start3A_73 : memref<16x1024xf32, #tpu.memory_space<hbm>>) target(%dma_start3A_71 : memref<16x1024xf32, #tpu.memory_space<vmem>>) target_semaphore(%dma_start3A_67 : memref<!tpu.dma_semaphore, #tpu.memory_space<semaphore_mem>>)
    %add3A_74 = arith.constant 64 : i32
    %add3A_75 = arith.addi %mul3A_2, %add3A_74 : i32
    %dma_start3A_76 = arith.constant 4 : i32
    %dma_start3A_77 = arith.constant 4 : i32
    %dma_start3A_78 = arith.constant 0 : i32
    %dma_start3A_79 = arith.constant 0 : i32
    %dma_start3A_80 = tpu.memref_slice %arg4[%dma_start3A_76, %dma_start3A_78, %dma_start3A_79] : memref<7x16x1024xf32, #tpu.memory_space<vmem>> -> memref<1x16x1024xf32, #tpu.memory_space<vmem>>
    %dma_start3A_81 = tpu.memref_squeeze %dma_start3A_80 : memref<1x16x1024xf32, #tpu.memory_space<vmem>> -> memref<16x1024xf32, #tpu.memory_space<vmem>>
    %dma_start3A_82 = arith.constant 0 : i32
    %dma_start3A_83 = tpu.memref_slice %arg2[%add3A_75, %dma_start3A_82] : memref<8192x1024xf32, #tpu.memory_space<hbm>> -> memref<16x1024xf32, #tpu.memory_space<hbm>>
    %dma_start3A_84 = tpu.memref_slice %arg5[%dma_start3A_77] : memref<7x!tpu.dma_semaphore, #tpu.memory_space<semaphore_mem>> -> memref<1x!tpu.dma_semaphore, #tpu.memory_space<semaphore_mem>>
    %dma_start3A_85 = tpu.memref_squeeze %dma_start3A_84 : memref<1x!tpu.dma_semaphore, #tpu.memory_space<semaphore_mem>> -> memref<!tpu.dma_semaphore, #tpu.memory_space<semaphore_mem>>
    %dma_start3A_86 = arith.constant 0 : i32
    %dma_start3A_87 = arith.constant 0 : i32
    %dma_start3A_88 = tpu.memref_slice %arg4[%dma_start3A_76, %dma_start3A_86, %dma_start3A_87] : memref<7x16x1024xf32, #tpu.memory_space<vmem>> -> memref<1x16x1024xf32, #tpu.memory_space<vmem>>
    %dma_start3A_89 = tpu.memref_squeeze %dma_start3A_88 : memref<1x16x1024xf32, #tpu.memory_space<vmem>> -> memref<16x1024xf32, #tpu.memory_space<vmem>>
    %dma_start3A_90 = arith.constant 0 : i32
    %dma_start3A_91 = tpu.memref_slice %arg2[%add3A_75, %dma_start3A_90] : memref<8192x1024xf32, #tpu.memory_space<hbm>> -> memref<16x1024xf32, #tpu.memory_space<hbm>>
    tpu.enqueue_dma source(%dma_start3A_91 : memref<16x1024xf32, #tpu.memory_space<hbm>>) target(%dma_start3A_89 : memref<16x1024xf32, #tpu.memory_space<vmem>>) target_semaphore(%dma_start3A_85 : memref<!tpu.dma_semaphore, #tpu.memory_space<semaphore_mem>>)
    %add3A_92 = arith.constant 80 : i32
    %add3A_93 = arith.addi %mul3A_2, %add3A_92 : i32
    %dma_start3A_94 = arith.constant 5 : i32
    %dma_start3A_95 = arith.constant 5 : i32
    %dma_start3A_96 = arith.constant 0 : i32
    %dma_start3A_97 = arith.constant 0 : i32
    %dma_start3A_98 = tpu.memref_slice %arg4[%dma_start3A_94, %dma_start3A_96, %dma_start3A_97] : memref<7x16x1024xf32, #tpu.memory_space<vmem>> -> memref<1x16x1024xf32, #tpu.memory_space<vmem>>
    %dma_start3A_99 = tpu.memref_squeeze %dma_start3A_98 : memref<1x16x1024xf32, #tpu.memory_space<vmem>> -> memref<16x1024xf32, #tpu.memory_space<vmem>>
    %dma_start3A_100 = arith.constant 0 : i32
    %dma_start3A_101 = tpu.memref_slice %arg2[%add3A_93, %dma_start3A_100] : memref<8192x1024xf32, #tpu.memory_space<hbm>> -> memref<16x1024xf32, #tpu.memory_space<hbm>>
    %dma_start3A_102 = tpu.memref_slice %arg5[%dma_start3A_95] : memref<7x!tpu.dma_semaphore, #tpu.memory_space<semaphore_mem>> -> memref<1x!tpu.dma_semaphore, #tpu.memory_space<semaphore_mem>>
    %dma_start3A_103 = tpu.memref_squeeze %dma_start3A_102 : memref<1x!tpu.dma_semaphore, #tpu.memory_space<semaphore_mem>> -> memref<!tpu.dma_semaphore, #tpu.memory_space<semaphore_mem>>
    %dma_start3A_104 = arith.constant 0 : i32
    %dma_start3A_105 = arith.constant 0 : i32
    %dma_start3A_106 = tpu.memref_slice %arg4[%dma_start3A_94, %dma_start3A_104, %dma_start3A_105] : memref<7x16x1024xf32, #tpu.memory_space<vmem>> -> memref<1x16x1024xf32, #tpu.memory_space<vmem>>
    %dma_start3A_107 = tpu.memref_squeeze %dma_start3A_106 : memref<1x16x1024xf32, #tpu.memory_space<vmem>> -> memref<16x1024xf32, #tpu.memory_space<vmem>>
    %dma_start3A_108 = arith.constant 0 : i32
    %dma_start3A_109 = tpu.memref_slice %arg2[%add3A_93, %dma_start3A_108] : memref<8192x1024xf32, #tpu.memory_space<hbm>> -> memref<16x1024xf32, #tpu.memory_space<hbm>>
    tpu.enqueue_dma source(%dma_start3A_109 : memref<16x1024xf32, #tpu.memory_space<hbm>>) target(%dma_start3A_107 : memref<16x1024xf32, #tpu.memory_space<vmem>>) target_semaphore(%dma_start3A_103 : memref<!tpu.dma_semaphore, #tpu.memory_space<semaphore_mem>>)
    %add3A_110 = arith.constant 96 : i32
    %add3A_111 = arith.addi %mul3A_2, %add3A_110 : i32
    %dma_start3A_112 = arith.constant 6 : i32
    %dma_start3A_113 = arith.constant 6 : i32
    %dma_start3A_114 = arith.constant 0 : i32
    %dma_start3A_115 = arith.constant 0 : i32
    %dma_start3A_116 = tpu.memref_slice %arg4[%dma_start3A_112, %dma_start3A_114, %dma_start3A_115] : memref<7x16x1024xf32, #tpu.memory_space<vmem>> -> memref<1x16x1024xf32, #tpu.memory_space<vmem>>
    %dma_start3A_117 = tpu.memref_squeeze %dma_start3A_116 : memref<1x16x1024xf32, #tpu.memory_space<vmem>> -> memref<16x1024xf32, #tpu.memory_space<vmem>>
    %dma_start3A_118 = arith.constant 0 : i32
    %dma_start3A_119 = tpu.memref_slice %arg2[%add3A_111, %dma_start3A_118] : memref<8192x1024xf32, #tpu.memory_space<hbm>> -> memref<16x1024xf32, #tpu.memory_space<hbm>>
    %dma_start3A_120 = tpu.memref_slice %arg5[%dma_start3A_113] : memref<7x!tpu.dma_semaphore, #tpu.memory_space<semaphore_mem>> -> memref<1x!tpu.dma_semaphore, #tpu.memory_space<semaphore_mem>>
    %dma_start3A_121 = tpu.memref_squeeze %dma_start3A_120 : memref<1x!tpu.dma_semaphore, #tpu.memory_space<semaphore_mem>> -> memref<!tpu.dma_semaphore, #tpu.memory_space<semaphore_mem>>
    %dma_start3A_122 = arith.constant 0 : i32
    %dma_start3A_123 = arith.constant 0 : i32
    %dma_start3A_124 = tpu.memref_slice %arg4[%dma_start3A_112, %dma_start3A_122, %dma_start3A_123] : memref<7x16x1024xf32, #tpu.memory_space<vmem>> -> memref<1x16x1024xf32, #tpu.memory_space<vmem>>
    %dma_start3A_125 = tpu.memref_squeeze %dma_start3A_124 : memref<1x16x1024xf32, #tpu.memory_space<vmem>> -> memref<16x1024xf32, #tpu.memory_space<vmem>>
    %dma_start3A_126 = arith.constant 0 : i32
    %dma_start3A_127 = tpu.memref_slice %arg2[%add3A_111, %dma_start3A_126] : memref<8192x1024xf32, #tpu.memory_space<hbm>> -> memref<16x1024xf32, #tpu.memory_space<hbm>>
    tpu.enqueue_dma source(%dma_start3A_127 : memref<16x1024xf32, #tpu.memory_space<hbm>>) target(%dma_start3A_125 : memref<16x1024xf32, #tpu.memory_space<vmem>>) target_semaphore(%dma_start3A_121 : memref<!tpu.dma_semaphore, #tpu.memory_space<semaphore_mem>>)
    %add3A_128 = arith.constant 0 : i32
    %add3A_129 = arith.addi %mul3A_2, %add3A_128 : i32
    %dma_wait3A = arith.constant 0 : i32
    %dma_wait3A_130 = arith.constant 0 : i32
    %dma_wait3A_131 = arith.constant 0 : i32
    %dma_wait3A_132 = arith.constant 0 : i32
    %dma_wait3A_133 = tpu.memref_slice %arg4[%dma_wait3A, %dma_wait3A_131, %dma_wait3A_132] : memref<7x16x1024xf32, #tpu.memory_space<vmem>> -> memref<1x16x1024xf32, #tpu.memory_space<vmem>>
    %dma_wait3A_134 = tpu.memref_squeeze %dma_wait3A_133 : memref<1x16x1024xf32, #tpu.memory_space<vmem>> -> memref<16x1024xf32, #tpu.memory_space<vmem>>
    %dma_wait3A_135 = arith.constant 0 : i32
    %dma_wait3A_136 = tpu.memref_slice %arg2[%add3A_129, %dma_wait3A_135] : memref<8192x1024xf32, #tpu.memory_space<hbm>> -> memref<16x1024xf32, #tpu.memory_space<hbm>>
    %dma_wait3A_137 = tpu.memref_slice %arg5[%dma_wait3A_130] : memref<7x!tpu.dma_semaphore, #tpu.memory_space<semaphore_mem>> -> memref<1x!tpu.dma_semaphore, #tpu.memory_space<semaphore_mem>>
    %dma_wait3A_138 = tpu.memref_squeeze %dma_wait3A_137 : memref<1x!tpu.dma_semaphore, #tpu.memory_space<semaphore_mem>> -> memref<!tpu.dma_semaphore, #tpu.memory_space<semaphore_mem>>
    %dma_wait3A_139 = arith.constant 0 : i32
    %dma_wait3A_140 = arith.constant 0 : i32
    %dma_wait3A_141 = tpu.memref_slice %arg4[%dma_wait3A, %dma_wait3A_139, %dma_wait3A_140] : memref<7x16x1024xf32, #tpu.memory_space<vmem>> -> memref<1x16x1024xf32, #tpu.memory_space<vmem>>
    %dma_wait3A_142 = tpu.memref_squeeze %dma_wait3A_141 : memref<1x16x1024xf32, #tpu.memory_space<vmem>> -> memref<16x1024xf32, #tpu.memory_space<vmem>>
    %dma_wait3A_143 = arith.constant 0 : i32
    %dma_wait3A_144 = tpu.memref_slice %arg2[%add3A_129, %dma_wait3A_143] : memref<8192x1024xf32, #tpu.memory_space<hbm>> -> memref<16x1024xf32, #tpu.memory_space<hbm>>
    tpu.wait_dma2 semaphore(%dma_wait3A_138 : memref<!tpu.dma_semaphore, #tpu.memory_space<semaphore_mem>>) src(%dma_wait3A_144 : memref<16x1024xf32, #tpu.memory_space<hbm>>) dst(%dma_wait3A_142 : memref<16x1024xf32, #tpu.memory_space<vmem>>)
    %add3A_145 = arith.constant 0 : i32
    %add3A_146 = arith.addi %mul3A_2, %add3A_145 : i32
    %dma_start3A_147 = arith.constant 0 : i32
    %dma_start3A_148 = arith.constant 0 : i32
    %dma_start3A_149 = arith.constant 0 : i32
    %dma_start3A_150 = arith.constant 0 : i32
    %dma_start3A_151 = arith.constant 0 : i32
    %dma_start3A_152 = tpu.memref_slice %arg4[%dma_start3A_147, %dma_start3A_150, %dma_start3A_151] : memref<7x16x1024xf32, #tpu.memory_space<vmem>> -> memref<1x16x1024xf32, #tpu.memory_space<vmem>>
    %dma_start3A_153 = tpu.memref_squeeze %dma_start3A_152 : memref<1x16x1024xf32, #tpu.memory_space<vmem>> -> memref<16x1024xf32, #tpu.memory_space<vmem>>
    %dma_start3A_154 = arith.constant 0 : i32
    %dma_start3A_155 = tpu.memref_slice %arg3[%dma_start3A_148, %add3A_146, %dma_start3A_154] : memref<1x8192x1024xf32, #tpu.memory_space<hbm>> -> memref<1x16x1024xf32, #tpu.memory_space<hbm>>
    %dma_start3A_156 = tpu.memref_squeeze %dma_start3A_155 : memref<1x16x1024xf32, #tpu.memory_space<hbm>> -> memref<16x1024xf32, #tpu.memory_space<hbm>>
    %dma_start3A_157 = tpu.memref_slice %arg6[%dma_start3A_149] : memref<7x!tpu.dma_semaphore, #tpu.memory_space<semaphore_mem>> -> memref<1x!tpu.dma_semaphore, #tpu.memory_space<semaphore_mem>>
    %dma_start3A_158 = tpu.memref_squeeze %dma_start3A_157 : memref<1x!tpu.dma_semaphore, #tpu.memory_space<semaphore_mem>> -> memref<!tpu.dma_semaphore, #tpu.memory_space<semaphore_mem>>
    %dma_start3A_159 = arith.constant 0 : i32
    %dma_start3A_160 = tpu.memref_slice %arg3[%dma_start3A_148, %add3A_146, %dma_start3A_159] : memref<1x8192x1024xf32, #tpu.memory_space<hbm>> -> memref<1x16x1024xf32, #tpu.memory_space<hbm>>
    %dma_start3A_161 = tpu.memref_squeeze %dma_start3A_160 : memref<1x16x1024xf32, #tpu.memory_space<hbm>> -> memref<16x1024xf32, #tpu.memory_space<hbm>>
    %dma_start3A_162 = arith.constant 0 : i32
    %dma_start3A_163 = arith.constant 0 : i32
    %dma_start3A_164 = tpu.memref_slice %arg4[%dma_start3A_147, %dma_start3A_162, %dma_start3A_163] : memref<7x16x1024xf32, #tpu.memory_space<vmem>> -> memref<1x16x1024xf32, #tpu.memory_space<vmem>>
    %dma_start3A_165 = tpu.memref_squeeze %dma_start3A_164 : memref<1x16x1024xf32, #tpu.memory_space<vmem>> -> memref<16x1024xf32, #tpu.memory_space<vmem>>
    tpu.enqueue_dma source(%dma_start3A_165 : memref<16x1024xf32, #tpu.memory_space<vmem>>) target(%dma_start3A_161 : memref<16x1024xf32, #tpu.memory_space<hbm>>) target_semaphore(%dma_start3A_158 : memref<!tpu.dma_semaphore, #tpu.memory_space<semaphore_mem>>)
    %add3A_166 = arith.constant 16 : i32
    %add3A_167 = arith.addi %mul3A_2, %add3A_166 : i32
    %dma_wait3A_168 = arith.constant 1 : i32
    %dma_wait3A_169 = arith.constant 1 : i32
    %dma_wait3A_170 = arith.constant 0 : i32
    %dma_wait3A_171 = arith.constant 0 : i32
    %dma_wait3A_172 = tpu.memref_slice %arg4[%dma_wait3A_168, %dma_wait3A_170, %dma_wait3A_171] : memref<7x16x1024xf32, #tpu.memory_space<vmem>> -> memref<1x16x1024xf32, #tpu.memory_space<vmem>>
    %dma_wait3A_173 = tpu.memref_squeeze %dma_wait3A_172 : memref<1x16x1024xf32, #tpu.memory_space<vmem>> -> memref<16x1024xf32, #tpu.memory_space<vmem>>
    %dma_wait3A_174 = arith.constant 0 : i32
    %dma_wait3A_175 = tpu.memref_slice %arg2[%add3A_167, %dma_wait3A_174] : memref<8192x1024xf32, #tpu.memory_space<hbm>> -> memref<16x1024xf32, #tpu.memory_space<hbm>>
    %dma_wait3A_176 = tpu.memref_slice %arg5[%dma_wait3A_169] : memref<7x!tpu.dma_semaphore, #tpu.memory_space<semaphore_mem>> -> memref<1x!tpu.dma_semaphore, #tpu.memory_space<semaphore_mem>>
    %dma_wait3A_177 = tpu.memref_squeeze %dma_wait3A_176 : memref<1x!tpu.dma_semaphore, #tpu.memory_space<semaphore_mem>> -> memref<!tpu.dma_semaphore, #tpu.memory_space<semaphore_mem>>
    %dma_wait3A_178 = arith.constant 0 : i32
    %dma_wait3A_179 = arith.constant 0 : i32
    %dma_wait3A_180 = tpu.memref_slice %arg4[%dma_wait3A_168, %dma_wait3A_178, %dma_wait3A_179] : memref<7x16x1024xf32, #tpu.memory_space<vmem>> -> memref<1x16x1024xf32, #tpu.memory_space<vmem>>
    %dma_wait3A_181 = tpu.memref_squeeze %dma_wait3A_180 : memref<1x16x1024xf32, #tpu.memory_space<vmem>> -> memref<16x1024xf32, #tpu.memory_space<vmem>>
    %dma_wait3A_182 = arith.constant 0 : i32
    %dma_wait3A_183 = tpu.memref_slice %arg2[%add3A_167, %dma_wait3A_182] : memref<8192x1024xf32, #tpu.memory_space<hbm>> -> memref<16x1024xf32, #tpu.memory_space<hbm>>
    tpu.wait_dma2 semaphore(%dma_wait3A_177 : memref<!tpu.dma_semaphore, #tpu.memory_space<semaphore_mem>>) src(%dma_wait3A_183 : memref<16x1024xf32, #tpu.memory_space<hbm>>) dst(%dma_wait3A_181 : memref<16x1024xf32, #tpu.memory_space<vmem>>)
    %add3A_184 = arith.constant 16 : i32
    %add3A_185 = arith.addi %mul3A_2, %add3A_184 : i32
    %dma_start3A_186 = arith.constant 1 : i32
    %dma_start3A_187 = arith.constant 0 : i32
    %dma_start3A_188 = arith.constant 1 : i32
    %dma_start3A_189 = arith.constant 0 : i32
    %dma_start3A_190 = arith.constant 0 : i32
    %dma_start3A_191 = tpu.memref_slice %arg4[%dma_start3A_186, %dma_start3A_189, %dma_start3A_190] : memref<7x16x1024xf32, #tpu.memory_space<vmem>> -> memref<1x16x1024xf32, #tpu.memory_space<vmem>>
    %dma_start3A_192 = tpu.memref_squeeze %dma_start3A_191 : memref<1x16x1024xf32, #tpu.memory_space<vmem>> -> memref<16x1024xf32, #tpu.memory_space<vmem>>
    %dma_start3A_193 = arith.constant 0 : i32
    %dma_start3A_194 = tpu.memref_slice %arg3[%dma_start3A_187, %add3A_185, %dma_start3A_193] : memref<1x8192x1024xf32, #tpu.memory_space<hbm>> -> memref<1x16x1024xf32, #tpu.memory_space<hbm>>
    %dma_start3A_195 = tpu.memref_squeeze %dma_start3A_194 : memref<1x16x1024xf32, #tpu.memory_space<hbm>> -> memref<16x1024xf32, #tpu.memory_space<hbm>>
    %dma_start3A_196 = tpu.memref_slice %arg6[%dma_start3A_188] : memref<7x!tpu.dma_semaphore, #tpu.memory_space<semaphore_mem>> -> memref<1x!tpu.dma_semaphore, #tpu.memory_space<semaphore_mem>>
    %dma_start3A_197 = tpu.memref_squeeze %dma_start3A_196 : memref<1x!tpu.dma_semaphore, #tpu.memory_space<semaphore_mem>> -> memref<!tpu.dma_semaphore, #tpu.memory_space<semaphore_mem>>
    %dma_start3A_198 = arith.constant 0 : i32
    %dma_start3A_199 = tpu.memref_slice %arg3[%dma_start3A_187, %add3A_185, %dma_start3A_198] : memref<1x8192x1024xf32, #tpu.memory_space<hbm>> -> memref<1x16x1024xf32, #tpu.memory_space<hbm>>
    %dma_start3A_200 = tpu.memref_squeeze %dma_start3A_199 : memref<1x16x1024xf32, #tpu.memory_space<hbm>> -> memref<16x1024xf32, #tpu.memory_space<hbm>>
    %dma_start3A_201 = arith.constant 0 : i32
    %dma_start3A_202 = arith.constant 0 : i32
    %dma_start3A_203 = tpu.memref_slice %arg4[%dma_start3A_186, %dma_start3A_201, %dma_start3A_202] : memref<7x16x1024xf32, #tpu.memory_space<vmem>> -> memref<1x16x1024xf32, #tpu.memory_space<vmem>>
    %dma_start3A_204 = tpu.memref_squeeze %dma_start3A_203 : memref<1x16x1024xf32, #tpu.memory_space<vmem>> -> memref<16x1024xf32, #tpu.memory_space<vmem>>
    tpu.enqueue_dma source(%dma_start3A_204 : memref<16x1024xf32, #tpu.memory_space<vmem>>) target(%dma_start3A_200 : memref<16x1024xf32, #tpu.memory_space<hbm>>) target_semaphore(%dma_start3A_197 : memref<!tpu.dma_semaphore, #tpu.memory_space<semaphore_mem>>)
    %add3A_205 = arith.constant 32 : i32
    %add3A_206 = arith.addi %mul3A_2, %add3A_205 : i32
    %dma_wait3A_207 = arith.constant 2 : i32
    %dma_wait3A_208 = arith.constant 2 : i32
    %dma_wait3A_209 = arith.constant 0 : i32
    %dma_wait3A_210 = arith.constant 0 : i32
    %dma_wait3A_211 = tpu.memref_slice %arg4[%dma_wait3A_207, %dma_wait3A_209, %dma_wait3A_210] : memref<7x16x1024xf32, #tpu.memory_space<vmem>> -> memref<1x16x1024xf32, #tpu.memory_space<vmem>>
    %dma_wait3A_212 = tpu.memref_squeeze %dma_wait3A_211 : memref<1x16x1024xf32, #tpu.memory_space<vmem>> -> memref<16x1024xf32, #tpu.memory_space<vmem>>
    %dma_wait3A_213 = arith.constant 0 : i32
    %dma_wait3A_214 = tpu.memref_slice %arg2[%add3A_206, %dma_wait3A_213] : memref<8192x1024xf32, #tpu.memory_space<hbm>> -> memref<16x1024xf32, #tpu.memory_space<hbm>>
    %dma_wait3A_215 = tpu.memref_slice %arg5[%dma_wait3A_208] : memref<7x!tpu.dma_semaphore, #tpu.memory_space<semaphore_mem>> -> memref<1x!tpu.dma_semaphore, #tpu.memory_space<semaphore_mem>>
    %dma_wait3A_216 = tpu.memref_squeeze %dma_wait3A_215 : memref<1x!tpu.dma_semaphore, #tpu.memory_space<semaphore_mem>> -> memref<!tpu.dma_semaphore, #tpu.memory_space<semaphore_mem>>
    %dma_wait3A_217 = arith.constant 0 : i32
    %dma_wait3A_218 = arith.constant 0 : i32
    %dma_wait3A_219 = tpu.memref_slice %arg4[%dma_wait3A_207, %dma_wait3A_217, %dma_wait3A_218] : memref<7x16x1024xf32, #tpu.memory_space<vmem>> -> memref<1x16x1024xf32, #tpu.memory_space<vmem>>
    %dma_wait3A_220 = tpu.memref_squeeze %dma_wait3A_219 : memref<1x16x1024xf32, #tpu.memory_space<vmem>> -> memref<16x1024xf32, #tpu.memory_space<vmem>>
    %dma_wait3A_221 = arith.constant 0 : i32
    %dma_wait3A_222 = tpu.memref_slice %arg2[%add3A_206, %dma_wait3A_221] : memref<8192x1024xf32, #tpu.memory_space<hbm>> -> memref<16x1024xf32, #tpu.memory_space<hbm>>
    tpu.wait_dma2 semaphore(%dma_wait3A_216 : memref<!tpu.dma_semaphore, #tpu.memory_space<semaphore_mem>>) src(%dma_wait3A_222 : memref<16x1024xf32, #tpu.memory_space<hbm>>) dst(%dma_wait3A_220 : memref<16x1024xf32, #tpu.memory_space<vmem>>)
    %add3A_223 = arith.constant 32 : i32
    %add3A_224 = arith.addi %mul3A_2, %add3A_223 : i32
    %dma_start3A_225 = arith.constant 2 : i32
    %dma_start3A_226 = arith.constant 0 : i32
    %dma_start3A_227 = arith.constant 2 : i32
    %dma_start3A_228 = arith.constant 0 : i32
    %dma_start3A_229 = arith.constant 0 : i32
    %dma_start3A_230 = tpu.memref_slice %arg4[%dma_start3A_225, %dma_start3A_228, %dma_start3A_229] : memref<7x16x1024xf32, #tpu.memory_space<vmem>> -> memref<1x16x1024xf32, #tpu.memory_space<vmem>>
    %dma_start3A_231 = tpu.memref_squeeze %dma_start3A_230 : memref<1x16x1024xf32, #tpu.memory_space<vmem>> -> memref<16x1024xf32, #tpu.memory_space<vmem>>
    %dma_start3A_232 = arith.constant 0 : i32
    %dma_start3A_233 = tpu.memref_slice %arg3[%dma_start3A_226, %add3A_224, %dma_start3A_232] : memref<1x8192x1024xf32, #tpu.memory_space<hbm>> -> memref<1x16x1024xf32, #tpu.memory_space<hbm>>
    %dma_start3A_234 = tpu.memref_squeeze %dma_start3A_233 : memref<1x16x1024xf32, #tpu.memory_space<hbm>> -> memref<16x1024xf32, #tpu.memory_space<hbm>>
    %dma_start3A_235 = tpu.memref_slice %arg6[%dma_start3A_227] : memref<7x!tpu.dma_semaphore, #tpu.memory_space<semaphore_mem>> -> memref<1x!tpu.dma_semaphore, #tpu.memory_space<semaphore_mem>>
    %dma_start3A_236 = tpu.memref_squeeze %dma_start3A_235 : memref<1x!tpu.dma_semaphore, #tpu.memory_space<semaphore_mem>> -> memref<!tpu.dma_semaphore, #tpu.memory_space<semaphore_mem>>
    %dma_start3A_237 = arith.constant 0 : i32
    %dma_start3A_238 = tpu.memref_slice %arg3[%dma_start3A_226, %add3A_224, %dma_start3A_237] : memref<1x8192x1024xf32, #tpu.memory_space<hbm>> -> memref<1x16x1024xf32, #tpu.memory_space<hbm>>
    %dma_start3A_239 = tpu.memref_squeeze %dma_start3A_238 : memref<1x16x1024xf32, #tpu.memory_space<hbm>> -> memref<16x1024xf32, #tpu.memory_space<hbm>>
    %dma_start3A_240 = arith.constant 0 : i32
    %dma_start3A_241 = arith.constant 0 : i32
    %dma_start3A_242 = tpu.memref_slice %arg4[%dma_start3A_225, %dma_start3A_240, %dma_start3A_241] : memref<7x16x1024xf32, #tpu.memory_space<vmem>> -> memref<1x16x1024xf32, #tpu.memory_space<vmem>>
    %dma_start3A_243 = tpu.memref_squeeze %dma_start3A_242 : memref<1x16x1024xf32, #tpu.memory_space<vmem>> -> memref<16x1024xf32, #tpu.memory_space<vmem>>
    tpu.enqueue_dma source(%dma_start3A_243 : memref<16x1024xf32, #tpu.memory_space<vmem>>) target(%dma_start3A_239 : memref<16x1024xf32, #tpu.memory_space<hbm>>) target_semaphore(%dma_start3A_236 : memref<!tpu.dma_semaphore, #tpu.memory_space<semaphore_mem>>)
    %add3A_244 = arith.constant 48 : i32
    %add3A_245 = arith.addi %mul3A_2, %add3A_244 : i32
    %dma_wait3A_246 = arith.constant 3 : i32
    %dma_wait3A_247 = arith.constant 3 : i32
    %dma_wait3A_248 = arith.constant 0 : i32
    %dma_wait3A_249 = arith.constant 0 : i32
    %dma_wait3A_250 = tpu.memref_slice %arg4[%dma_wait3A_246, %dma_wait3A_248, %dma_wait3A_249] : memref<7x16x1024xf32, #tpu.memory_space<vmem>> -> memref<1x16x1024xf32, #tpu.memory_space<vmem>>
    %dma_wait3A_251 = tpu.memref_squeeze %dma_wait3A_250 : memref<1x16x1024xf32, #tpu.memory_space<vmem>> -> memref<16x1024xf32, #tpu.memory_space<vmem>>
    %dma_wait3A_252 = arith.constant 0 : i32
    %dma_wait3A_253 = tpu.memref_slice %arg2[%add3A_245, %dma_wait3A_252] : memref<8192x1024xf32, #tpu.memory_space<hbm>> -> memref<16x1024xf32, #tpu.memory_space<hbm>>
    %dma_wait3A_254 = tpu.memref_slice %arg5[%dma_wait3A_247] : memref<7x!tpu.dma_semaphore, #tpu.memory_space<semaphore_mem>> -> memref<1x!tpu.dma_semaphore, #tpu.memory_space<semaphore_mem>>
    %dma_wait3A_255 = tpu.memref_squeeze %dma_wait3A_254 : memref<1x!tpu.dma_semaphore, #tpu.memory_space<semaphore_mem>> -> memref<!tpu.dma_semaphore, #tpu.memory_space<semaphore_mem>>
    %dma_wait3A_256 = arith.constant 0 : i32
    %dma_wait3A_257 = arith.constant 0 : i32
    %dma_wait3A_258 = tpu.memref_slice %arg4[%dma_wait3A_246, %dma_wait3A_256, %dma_wait3A_257] : memref<7x16x1024xf32, #tpu.memory_space<vmem>> -> memref<1x16x1024xf32, #tpu.memory_space<vmem>>
    %dma_wait3A_259 = tpu.memref_squeeze %dma_wait3A_258 : memref<1x16x1024xf32, #tpu.memory_space<vmem>> -> memref<16x1024xf32, #tpu.memory_space<vmem>>
    %dma_wait3A_260 = arith.constant 0 : i32
    %dma_wait3A_261 = tpu.memref_slice %arg2[%add3A_245, %dma_wait3A_260] : memref<8192x1024xf32, #tpu.memory_space<hbm>> -> memref<16x1024xf32, #tpu.memory_space<hbm>>
    tpu.wait_dma2 semaphore(%dma_wait3A_255 : memref<!tpu.dma_semaphore, #tpu.memory_space<semaphore_mem>>) src(%dma_wait3A_261 : memref<16x1024xf32, #tpu.memory_space<hbm>>) dst(%dma_wait3A_259 : memref<16x1024xf32, #tpu.memory_space<vmem>>)
    %add3A_262 = arith.constant 48 : i32
    %add3A_263 = arith.addi %mul3A_2, %add3A_262 : i32
    %dma_start3A_264 = arith.constant 3 : i32
    %dma_start3A_265 = arith.constant 0 : i32
    %dma_start3A_266 = arith.constant 3 : i32
    %dma_start3A_267 = arith.constant 0 : i32
    %dma_start3A_268 = arith.constant 0 : i32
    %dma_start3A_269 = tpu.memref_slice %arg4[%dma_start3A_264, %dma_start3A_267, %dma_start3A_268] : memref<7x16x1024xf32, #tpu.memory_space<vmem>> -> memref<1x16x1024xf32, #tpu.memory_space<vmem>>
    %dma_start3A_270 = tpu.memref_squeeze %dma_start3A_269 : memref<1x16x1024xf32, #tpu.memory_space<vmem>> -> memref<16x1024xf32, #tpu.memory_space<vmem>>
    %dma_start3A_271 = arith.constant 0 : i32
    %dma_start3A_272 = tpu.memref_slice %arg3[%dma_start3A_265, %add3A_263, %dma_start3A_271] : memref<1x8192x1024xf32, #tpu.memory_space<hbm>> -> memref<1x16x1024xf32, #tpu.memory_space<hbm>>
    %dma_start3A_273 = tpu.memref_squeeze %dma_start3A_272 : memref<1x16x1024xf32, #tpu.memory_space<hbm>> -> memref<16x1024xf32, #tpu.memory_space<hbm>>
    %dma_start3A_274 = tpu.memref_slice %arg6[%dma_start3A_266] : memref<7x!tpu.dma_semaphore, #tpu.memory_space<semaphore_mem>> -> memref<1x!tpu.dma_semaphore, #tpu.memory_space<semaphore_mem>>
    %dma_start3A_275 = tpu.memref_squeeze %dma_start3A_274 : memref<1x!tpu.dma_semaphore, #tpu.memory_space<semaphore_mem>> -> memref<!tpu.dma_semaphore, #tpu.memory_space<semaphore_mem>>
    %dma_start3A_276 = arith.constant 0 : i32
    %dma_start3A_277 = tpu.memref_slice %arg3[%dma_start3A_265, %add3A_263, %dma_start3A_276] : memref<1x8192x1024xf32, #tpu.memory_space<hbm>> -> memref<1x16x1024xf32, #tpu.memory_space<hbm>>
    %dma_start3A_278 = tpu.memref_squeeze %dma_start3A_277 : memref<1x16x1024xf32, #tpu.memory_space<hbm>> -> memref<16x1024xf32, #tpu.memory_space<hbm>>
    %dma_start3A_279 = arith.constant 0 : i32
    %dma_start3A_280 = arith.constant 0 : i32
    %dma_start3A_281 = tpu.memref_slice %arg4[%dma_start3A_264, %dma_start3A_279, %dma_start3A_280] : memref<7x16x1024xf32, #tpu.memory_space<vmem>> -> memref<1x16x1024xf32, #tpu.memory_space<vmem>>
    %dma_start3A_282 = tpu.memref_squeeze %dma_start3A_281 : memref<1x16x1024xf32, #tpu.memory_space<vmem>> -> memref<16x1024xf32, #tpu.memory_space<vmem>>
    tpu.enqueue_dma source(%dma_start3A_282 : memref<16x1024xf32, #tpu.memory_space<vmem>>) target(%dma_start3A_278 : memref<16x1024xf32, #tpu.memory_space<hbm>>) target_semaphore(%dma_start3A_275 : memref<!tpu.dma_semaphore, #tpu.memory_space<semaphore_mem>>)
    %add3A_283 = arith.constant 0 : i32
    %add3A_284 = arith.addi %mul3A_2, %add3A_283 : i32
    %dma_wait3A_285 = arith.constant 0 : i32
    %dma_wait3A_286 = arith.constant 0 : i32
    %dma_wait3A_287 = arith.constant 0 : i32
    %dma_wait3A_288 = arith.constant 0 : i32
    %dma_wait3A_289 = arith.constant 0 : i32
    %dma_wait3A_290 = tpu.memref_slice %arg4[%dma_wait3A_285, %dma_wait3A_288, %dma_wait3A_289] : memref<7x16x1024xf32, #tpu.memory_space<vmem>> -> memref<1x16x1024xf32, #tpu.memory_space<vmem>>
    %dma_wait3A_291 = tpu.memref_squeeze %dma_wait3A_290 : memref<1x16x1024xf32, #tpu.memory_space<vmem>> -> memref<16x1024xf32, #tpu.memory_space<vmem>>
    %dma_wait3A_292 = arith.constant 0 : i32
    %dma_wait3A_293 = tpu.memref_slice %arg3[%dma_wait3A_286, %add3A_284, %dma_wait3A_292] : memref<1x8192x1024xf32, #tpu.memory_space<hbm>> -> memref<1x16x1024xf32, #tpu.memory_space<hbm>>
    %dma_wait3A_294 = tpu.memref_squeeze %dma_wait3A_293 : memref<1x16x1024xf32, #tpu.memory_space<hbm>> -> memref<16x1024xf32, #tpu.memory_space<hbm>>
    %dma_wait3A_295 = tpu.memref_slice %arg6[%dma_wait3A_287] : memref<7x!tpu.dma_semaphore, #tpu.memory_space<semaphore_mem>> -> memref<1x!tpu.dma_semaphore, #tpu.memory_space<semaphore_mem>>
    %dma_wait3A_296 = tpu.memref_squeeze %dma_wait3A_295 : memref<1x!tpu.dma_semaphore, #tpu.memory_space<semaphore_mem>> -> memref<!tpu.dma_semaphore, #tpu.memory_space<semaphore_mem>>
    %dma_wait3A_297 = arith.constant 0 : i32
    %dma_wait3A_298 = tpu.memref_slice %arg3[%dma_wait3A_286, %add3A_284, %dma_wait3A_297] : memref<1x8192x1024xf32, #tpu.memory_space<hbm>> -> memref<1x16x1024xf32, #tpu.memory_space<hbm>>
    %dma_wait3A_299 = tpu.memref_squeeze %dma_wait3A_298 : memref<1x16x1024xf32, #tpu.memory_space<hbm>> -> memref<16x1024xf32, #tpu.memory_space<hbm>>
    %dma_wait3A_300 = arith.constant 0 : i32
    %dma_wait3A_301 = arith.constant 0 : i32
    %dma_wait3A_302 = tpu.memref_slice %arg4[%dma_wait3A_285, %dma_wait3A_300, %dma_wait3A_301] : memref<7x16x1024xf32, #tpu.memory_space<vmem>> -> memref<1x16x1024xf32, #tpu.memory_space<vmem>>
    %dma_wait3A_303 = tpu.memref_squeeze %dma_wait3A_302 : memref<1x16x1024xf32, #tpu.memory_space<vmem>> -> memref<16x1024xf32, #tpu.memory_space<vmem>>
    tpu.wait_dma2 semaphore(%dma_wait3A_296 : memref<!tpu.dma_semaphore, #tpu.memory_space<semaphore_mem>>) src(%dma_wait3A_303 : memref<16x1024xf32, #tpu.memory_space<vmem>>) dst(%dma_wait3A_299 : memref<16x1024xf32, #tpu.memory_space<hbm>>)
    %add3A_304 = arith.constant 112 : i32
    %add3A_305 = arith.addi %mul3A_2, %add3A_304 : i32
    %dma_start3A_306 = arith.constant 0 : i32
    %dma_start3A_307 = arith.constant 0 : i32
    %dma_start3A_308 = arith.constant 0 : i32
    %dma_start3A_309 = arith.constant 0 : i32
    %dma_start3A_310 = tpu.memref_slice %arg4[%dma_start3A_306, %dma_start3A_308, %dma_start3A_309] : memref<7x16x1024xf32, #tpu.memory_space<vmem>> -> memref<1x16x1024xf32, #tpu.memory_space<vmem>>
    %dma_start3A_311 = tpu.memref_squeeze %dma_start3A_310 : memref<1x16x1024xf32, #tpu.memory_space<vmem>> -> memref<16x1024xf32, #tpu.memory_space<vmem>>
    %dma_start3A_312 = arith.constant 0 : i32
    %dma_start3A_313 = tpu.memref_slice %arg2[%add3A_305, %dma_start3A_312] : memref<8192x1024xf32, #tpu.memory_space<hbm>> -> memref<16x1024xf32, #tpu.memory_space<hbm>>
    %dma_start3A_314 = tpu.memref_slice %arg5[%dma_start3A_307] : memref<7x!tpu.dma_semaphore, #tpu.memory_space<semaphore_mem>> -> memref<1x!tpu.dma_semaphore, #tpu.memory_space<semaphore_mem>>
    %dma_start3A_315 = tpu.memref_squeeze %dma_start3A_314 : memref<1x!tpu.dma_semaphore, #tpu.memory_space<semaphore_mem>> -> memref<!tpu.dma_semaphore, #tpu.memory_space<semaphore_mem>>
    %dma_start3A_316 = arith.constant 0 : i32
    %dma_start3A_317 = arith.constant 0 : i32
    %dma_start3A_318 = tpu.memref_slice %arg4[%dma_start3A_306, %dma_start3A_316, %dma_start3A_317] : memref<7x16x1024xf32, #tpu.memory_space<vmem>> -> memref<1x16x1024xf32, #tpu.memory_space<vmem>>
    %dma_start3A_319 = tpu.memref_squeeze %dma_start3A_318 : memref<1x16x1024xf32, #tpu.memory_space<vmem>> -> memref<16x1024xf32, #tpu.memory_space<vmem>>
    %dma_start3A_320 = arith.constant 0 : i32
    %dma_start3A_321 = tpu.memref_slice %arg2[%add3A_305, %dma_start3A_320] : memref<8192x1024xf32, #tpu.memory_space<hbm>> -> memref<16x1024xf32, #tpu.memory_space<hbm>>
    tpu.enqueue_dma source(%dma_start3A_321 : memref<16x1024xf32, #tpu.memory_space<hbm>>) target(%dma_start3A_319 : memref<16x1024xf32, #tpu.memory_space<vmem>>) target_semaphore(%dma_start3A_315 : memref<!tpu.dma_semaphore, #tpu.memory_space<semaphore_mem>>)
    %add3A_322 = arith.constant 64 : i32
    %add3A_323 = arith.addi %mul3A_2, %add3A_322 : i32
    %dma_wait3A_324 = arith.constant 4 : i32
    %dma_wait3A_325 = arith.constant 4 : i32
    %dma_wait3A_326 = arith.constant 0 : i32
    %dma_wait3A_327 = arith.constant 0 : i32
    %dma_wait3A_328 = tpu.memref_slice %arg4[%dma_wait3A_324, %dma_wait3A_326, %dma_wait3A_327] : memref<7x16x1024xf32, #tpu.memory_space<vmem>> -> memref<1x16x1024xf32, #tpu.memory_space<vmem>>
    %dma_wait3A_329 = tpu.memref_squeeze %dma_wait3A_328 : memref<1x16x1024xf32, #tpu.memory_space<vmem>> -> memref<16x1024xf32, #tpu.memory_space<vmem>>
    %dma_wait3A_330 = arith.constant 0 : i32
    %dma_wait3A_331 = tpu.memref_slice %arg2[%add3A_323, %dma_wait3A_330] : memref<8192x1024xf32, #tpu.memory_space<hbm>> -> memref<16x1024xf32, #tpu.memory_space<hbm>>
    %dma_wait3A_332 = tpu.memref_slice %arg5[%dma_wait3A_325] : memref<7x!tpu.dma_semaphore, #tpu.memory_space<semaphore_mem>> -> memref<1x!tpu.dma_semaphore, #tpu.memory_space<semaphore_mem>>
    %dma_wait3A_333 = tpu.memref_squeeze %dma_wait3A_332 : memref<1x!tpu.dma_semaphore, #tpu.memory_space<semaphore_mem>> -> memref<!tpu.dma_semaphore, #tpu.memory_space<semaphore_mem>>
    %dma_wait3A_334 = arith.constant 0 : i32
    %dma_wait3A_335 = arith.constant 0 : i32
    %dma_wait3A_336 = tpu.memref_slice %arg4[%dma_wait3A_324, %dma_wait3A_334, %dma_wait3A_335] : memref<7x16x1024xf32, #tpu.memory_space<vmem>> -> memref<1x16x1024xf32, #tpu.memory_space<vmem>>
    %dma_wait3A_337 = tpu.memref_squeeze %dma_wait3A_336 : memref<1x16x1024xf32, #tpu.memory_space<vmem>> -> memref<16x1024xf32, #tpu.memory_space<vmem>>
    %dma_wait3A_338 = arith.constant 0 : i32
    %dma_wait3A_339 = tpu.memref_slice %arg2[%add3A_323, %dma_wait3A_338] : memref<8192x1024xf32, #tpu.memory_space<hbm>> -> memref<16x1024xf32, #tpu.memory_space<hbm>>
    tpu.wait_dma2 semaphore(%dma_wait3A_333 : memref<!tpu.dma_semaphore, #tpu.memory_space<semaphore_mem>>) src(%dma_wait3A_339 : memref<16x1024xf32, #tpu.memory_space<hbm>>) dst(%dma_wait3A_337 : memref<16x1024xf32, #tpu.memory_space<vmem>>)
    %add3A_340 = arith.constant 64 : i32
    %add3A_341 = arith.addi %mul3A_2, %add3A_340 : i32
    %dma_start3A_342 = arith.constant 4 : i32
    %dma_start3A_343 = arith.constant 0 : i32
    %dma_start3A_344 = arith.constant 4 : i32
    %dma_start3A_345 = arith.constant 0 : i32
    %dma_start3A_346 = arith.constant 0 : i32
    %dma_start3A_347 = tpu.memref_slice %arg4[%dma_start3A_342, %dma_start3A_345, %dma_start3A_346] : memref<7x16x1024xf32, #tpu.memory_space<vmem>> -> memref<1x16x1024xf32, #tpu.memory_space<vmem>>
    %dma_start3A_348 = tpu.memref_squeeze %dma_start3A_347 : memref<1x16x1024xf32, #tpu.memory_space<vmem>> -> memref<16x1024xf32, #tpu.memory_space<vmem>>
    %dma_start3A_349 = arith.constant 0 : i32
    %dma_start3A_350 = tpu.memref_slice %arg3[%dma_start3A_343, %add3A_341, %dma_start3A_349] : memref<1x8192x1024xf32, #tpu.memory_space<hbm>> -> memref<1x16x1024xf32, #tpu.memory_space<hbm>>
    %dma_start3A_351 = tpu.memref_squeeze %dma_start3A_350 : memref<1x16x1024xf32, #tpu.memory_space<hbm>> -> memref<16x1024xf32, #tpu.memory_space<hbm>>
    %dma_start3A_352 = tpu.memref_slice %arg6[%dma_start3A_344] : memref<7x!tpu.dma_semaphore, #tpu.memory_space<semaphore_mem>> -> memref<1x!tpu.dma_semaphore, #tpu.memory_space<semaphore_mem>>
    %dma_start3A_353 = tpu.memref_squeeze %dma_start3A_352 : memref<1x!tpu.dma_semaphore, #tpu.memory_space<semaphore_mem>> -> memref<!tpu.dma_semaphore, #tpu.memory_space<semaphore_mem>>
    %dma_start3A_354 = arith.constant 0 : i32
    %dma_start3A_355 = tpu.memref_slice %arg3[%dma_start3A_343, %add3A_341, %dma_start3A_354] : memref<1x8192x1024xf32, #tpu.memory_space<hbm>> -> memref<1x16x1024xf32, #tpu.memory_space<hbm>>
    %dma_start3A_356 = tpu.memref_squeeze %dma_start3A_355 : memref<1x16x1024xf32, #tpu.memory_space<hbm>> -> memref<16x1024xf32, #tpu.memory_space<hbm>>
    %dma_start3A_357 = arith.constant 0 : i32
    %dma_start3A_358 = arith.constant 0 : i32
    %dma_start3A_359 = tpu.memref_slice %arg4[%dma_start3A_342, %dma_start3A_357, %dma_start3A_358] : memref<7x16x1024xf32, #tpu.memory_space<vmem>> -> memref<1x16x1024xf32, #tpu.memory_space<vmem>>
    %dma_start3A_360 = tpu.memref_squeeze %dma_start3A_359 : memref<1x16x1024xf32, #tpu.memory_space<vmem>> -> memref<16x1024xf32, #tpu.memory_space<vmem>>
    tpu.enqueue_dma source(%dma_start3A_360 : memref<16x1024xf32, #tpu.memory_space<vmem>>) target(%dma_start3A_356 : memref<16x1024xf32, #tpu.memory_space<hbm>>) target_semaphore(%dma_start3A_353 : memref<!tpu.dma_semaphore, #tpu.memory_space<semaphore_mem>>)
    %add3A_361 = arith.constant 16 : i32
    %add3A_362 = arith.addi %mul3A_2, %add3A_361 : i32
    %dma_wait3A_363 = arith.constant 1 : i32
    %dma_wait3A_364 = arith.constant 0 : i32
    %dma_wait3A_365 = arith.constant 1 : i32
    %dma_wait3A_366 = arith.constant 0 : i32
    %dma_wait3A_367 = arith.constant 0 : i32
    %dma_wait3A_368 = tpu.memref_slice %arg4[%dma_wait3A_363, %dma_wait3A_366, %dma_wait3A_367] : memref<7x16x1024xf32, #tpu.memory_space<vmem>> -> memref<1x16x1024xf32, #tpu.memory_space<vmem>>
    %dma_wait3A_369 = tpu.memref_squeeze %dma_wait3A_368 : memref<1x16x1024xf32, #tpu.memory_space<vmem>> -> memref<16x1024xf32, #tpu.memory_space<vmem>>
    %dma_wait3A_370 = arith.constant 0 : i32
    %dma_wait3A_371 = tpu.memref_slice %arg3[%dma_wait3A_364, %add3A_362, %dma_wait3A_370] : memref<1x8192x1024xf32, #tpu.memory_space<hbm>> -> memref<1x16x1024xf32, #tpu.memory_space<hbm>>
    %dma_wait3A_372 = tpu.memref_squeeze %dma_wait3A_371 : memref<1x16x1024xf32, #tpu.memory_space<hbm>> -> memref<16x1024xf32, #tpu.memory_space<hbm>>
    %dma_wait3A_373 = tpu.memref_slice %arg6[%dma_wait3A_365] : memref<7x!tpu.dma_semaphore, #tpu.memory_space<semaphore_mem>> -> memref<1x!tpu.dma_semaphore, #tpu.memory_space<semaphore_mem>>
    %dma_wait3A_374 = tpu.memref_squeeze %dma_wait3A_373 : memref<1x!tpu.dma_semaphore, #tpu.memory_space<semaphore_mem>> -> memref<!tpu.dma_semaphore, #tpu.memory_space<semaphore_mem>>
    %dma_wait3A_375 = arith.constant 0 : i32
    %dma_wait3A_376 = tpu.memref_slice %arg3[%dma_wait3A_364, %add3A_362, %dma_wait3A_375] : memref<1x8192x1024xf32, #tpu.memory_space<hbm>> -> memref<1x16x1024xf32, #tpu.memory_space<hbm>>
    %dma_wait3A_377 = tpu.memref_squeeze %dma_wait3A_376 : memref<1x16x1024xf32, #tpu.memory_space<hbm>> -> memref<16x1024xf32, #tpu.memory_space<hbm>>
    %dma_wait3A_378 = arith.constant 0 : i32
    %dma_wait3A_379 = arith.constant 0 : i32
    %dma_wait3A_380 = tpu.memref_slice %arg4[%dma_wait3A_363, %dma_wait3A_378, %dma_wait3A_379] : memref<7x16x1024xf32, #tpu.memory_space<vmem>> -> memref<1x16x1024xf32, #tpu.memory_space<vmem>>
    %dma_wait3A_381 = tpu.memref_squeeze %dma_wait3A_380 : memref<1x16x1024xf32, #tpu.memory_space<vmem>> -> memref<16x1024xf32, #tpu.memory_space<vmem>>
    tpu.wait_dma2 semaphore(%dma_wait3A_374 : memref<!tpu.dma_semaphore, #tpu.memory_space<semaphore_mem>>) src(%dma_wait3A_381 : memref<16x1024xf32, #tpu.memory_space<vmem>>) dst(%dma_wait3A_377 : memref<16x1024xf32, #tpu.memory_space<hbm>>)
    %add3A_382 = arith.constant 128 : i32
    %add3A_383 = arith.addi %mul3A_2, %add3A_382 : i32
    %dma_start3A_384 = arith.constant 1 : i32
    %dma_start3A_385 = arith.constant 1 : i32
    %dma_start3A_386 = arith.constant 0 : i32
    %dma_start3A_387 = arith.constant 0 : i32
    %dma_start3A_388 = tpu.memref_slice %arg4[%dma_start3A_384, %dma_start3A_386, %dma_start3A_387] : memref<7x16x1024xf32, #tpu.memory_space<vmem>> -> memref<1x16x1024xf32, #tpu.memory_space<vmem>>
    %dma_start3A_389 = tpu.memref_squeeze %dma_start3A_388 : memref<1x16x1024xf32, #tpu.memory_space<vmem>> -> memref<16x1024xf32, #tpu.memory_space<vmem>>
    %dma_start3A_390 = arith.constant 0 : i32
    %dma_start3A_391 = tpu.memref_slice %arg2[%add3A_383, %dma_start3A_390] : memref<8192x1024xf32, #tpu.memory_space<hbm>> -> memref<16x1024xf32, #tpu.memory_space<hbm>>
    %dma_start3A_392 = tpu.memref_slice %arg5[%dma_start3A_385] : memref<7x!tpu.dma_semaphore, #tpu.memory_space<semaphore_mem>> -> memref<1x!tpu.dma_semaphore, #tpu.memory_space<semaphore_mem>>
    %dma_start3A_393 = tpu.memref_squeeze %dma_start3A_392 : memref<1x!tpu.dma_semaphore, #tpu.memory_space<semaphore_mem>> -> memref<!tpu.dma_semaphore, #tpu.memory_space<semaphore_mem>>
    %dma_start3A_394 = arith.constant 0 : i32
    %dma_start3A_395 = arith.constant 0 : i32
    %dma_start3A_396 = tpu.memref_slice %arg4[%dma_start3A_384, %dma_start3A_394, %dma_start3A_395] : memref<7x16x1024xf32, #tpu.memory_space<vmem>> -> memref<1x16x1024xf32, #tpu.memory_space<vmem>>
    %dma_start3A_397 = tpu.memref_squeeze %dma_start3A_396 : memref<1x16x1024xf32, #tpu.memory_space<vmem>> -> memref<16x1024xf32, #tpu.memory_space<vmem>>
    %dma_start3A_398 = arith.constant 0 : i32
    %dma_start3A_399 = tpu.memref_slice %arg2[%add3A_383, %dma_start3A_398] : memref<8192x1024xf32, #tpu.memory_space<hbm>> -> memref<16x1024xf32, #tpu.memory_space<hbm>>
    tpu.enqueue_dma source(%dma_start3A_399 : memref<16x1024xf32, #tpu.memory_space<hbm>>) target(%dma_start3A_397 : memref<16x1024xf32, #tpu.memory_space<vmem>>) target_semaphore(%dma_start3A_393 : memref<!tpu.dma_semaphore, #tpu.memory_space<semaphore_mem>>)
    %add3A_400 = arith.constant 80 : i32
    %add3A_401 = arith.addi %mul3A_2, %add3A_400 : i32
    %dma_wait3A_402 = arith.constant 5 : i32
    %dma_wait3A_403 = arith.constant 5 : i32
    %dma_wait3A_404 = arith.constant 0 : i32
    %dma_wait3A_405 = arith.constant 0 : i32
    %dma_wait3A_406 = tpu.memref_slice %arg4[%dma_wait3A_402, %dma_wait3A_404, %dma_wait3A_405] : memref<7x16x1024xf32, #tpu.memory_space<vmem>> -> memref<1x16x1024xf32, #tpu.memory_space<vmem>>
    %dma_wait3A_407 = tpu.memref_squeeze %dma_wait3A_406 : memref<1x16x1024xf32, #tpu.memory_space<vmem>> -> memref<16x1024xf32, #tpu.memory_space<vmem>>
    %dma_wait3A_408 = arith.constant 0 : i32
    %dma_wait3A_409 = tpu.memref_slice %arg2[%add3A_401, %dma_wait3A_408] : memref<8192x1024xf32, #tpu.memory_space<hbm>> -> memref<16x1024xf32, #tpu.memory_space<hbm>>
    %dma_wait3A_410 = tpu.memref_slice %arg5[%dma_wait3A_403] : memref<7x!tpu.dma_semaphore, #tpu.memory_space<semaphore_mem>> -> memref<1x!tpu.dma_semaphore, #tpu.memory_space<semaphore_mem>>
    %dma_wait3A_411 = tpu.memref_squeeze %dma_wait3A_410 : memref<1x!tpu.dma_semaphore, #tpu.memory_space<semaphore_mem>> -> memref<!tpu.dma_semaphore, #tpu.memory_space<semaphore_mem>>
    %dma_wait3A_412 = arith.constant 0 : i32
    %dma_wait3A_413 = arith.constant 0 : i32
    %dma_wait3A_414 = tpu.memref_slice %arg4[%dma_wait3A_402, %dma_wait3A_412, %dma_wait3A_413] : memref<7x16x1024xf32, #tpu.memory_space<vmem>> -> memref<1x16x1024xf32, #tpu.memory_space<vmem>>
    %dma_wait3A_415 = tpu.memref_squeeze %dma_wait3A_414 : memref<1x16x1024xf32, #tpu.memory_space<vmem>> -> memref<16x1024xf32, #tpu.memory_space<vmem>>
    %dma_wait3A_416 = arith.constant 0 : i32
    %dma_wait3A_417 = tpu.memref_slice %arg2[%add3A_401, %dma_wait3A_416] : memref<8192x1024xf32, #tpu.memory_space<hbm>> -> memref<16x1024xf32, #tpu.memory_space<hbm>>
    tpu.wait_dma2 semaphore(%dma_wait3A_411 : memref<!tpu.dma_semaphore, #tpu.memory_space<semaphore_mem>>) src(%dma_wait3A_417 : memref<16x1024xf32, #tpu.memory_space<hbm>>) dst(%dma_wait3A_415 : memref<16x1024xf32, #tpu.memory_space<vmem>>)
    %add3A_418 = arith.constant 80 : i32
    %add3A_419 = arith.addi %mul3A_2, %add3A_418 : i32
    %dma_start3A_420 = arith.constant 5 : i32
    %dma_start3A_421 = arith.constant 0 : i32
    %dma_start3A_422 = arith.constant 5 : i32
    %dma_start3A_423 = arith.constant 0 : i32
    %dma_start3A_424 = arith.constant 0 : i32
    %dma_start3A_425 = tpu.memref_slice %arg4[%dma_start3A_420, %dma_start3A_423, %dma_start3A_424] : memref<7x16x1024xf32, #tpu.memory_space<vmem>> -> memref<1x16x1024xf32, #tpu.memory_space<vmem>>
    %dma_start3A_426 = tpu.memref_squeeze %dma_start3A_425 : memref<1x16x1024xf32, #tpu.memory_space<vmem>> -> memref<16x1024xf32, #tpu.memory_space<vmem>>
    %dma_start3A_427 = arith.constant 0 : i32
    %dma_start3A_428 = tpu.memref_slice %arg3[%dma_start3A_421, %add3A_419, %dma_start3A_427] : memref<1x8192x1024xf32, #tpu.memory_space<hbm>> -> memref<1x16x1024xf32, #tpu.memory_space<hbm>>
    %dma_start3A_429 = tpu.memref_squeeze %dma_start3A_428 : memref<1x16x1024xf32, #tpu.memory_space<hbm>> -> memref<16x1024xf32, #tpu.memory_space<hbm>>
    %dma_start3A_430 = tpu.memref_slice %arg6[%dma_start3A_422] : memref<7x!tpu.dma_semaphore, #tpu.memory_space<semaphore_mem>> -> memref<1x!tpu.dma_semaphore, #tpu.memory_space<semaphore_mem>>
    %dma_start3A_431 = tpu.memref_squeeze %dma_start3A_430 : memref<1x!tpu.dma_semaphore, #tpu.memory_space<semaphore_mem>> -> memref<!tpu.dma_semaphore, #tpu.memory_space<semaphore_mem>>
    %dma_start3A_432 = arith.constant 0 : i32
    %dma_start3A_433 = tpu.memref_slice %arg3[%dma_start3A_421, %add3A_419, %dma_start3A_432] : memref<1x8192x1024xf32, #tpu.memory_space<hbm>> -> memref<1x16x1024xf32, #tpu.memory_space<hbm>>
    %dma_start3A_434 = tpu.memref_squeeze %dma_start3A_433 : memref<1x16x1024xf32, #tpu.memory_space<hbm>> -> memref<16x1024xf32, #tpu.memory_space<hbm>>
    %dma_start3A_435 = arith.constant 0 : i32
    %dma_start3A_436 = arith.constant 0 : i32
    %dma_start3A_437 = tpu.memref_slice %arg4[%dma_start3A_420, %dma_start3A_435, %dma_start3A_436] : memref<7x16x1024xf32, #tpu.memory_space<vmem>> -> memref<1x16x1024xf32, #tpu.memory_space<vmem>>
    %dma_start3A_438 = tpu.memref_squeeze %dma_start3A_437 : memref<1x16x1024xf32, #tpu.memory_space<vmem>> -> memref<16x1024xf32, #tpu.memory_space<vmem>>
    tpu.enqueue_dma source(%dma_start3A_438 : memref<16x1024xf32, #tpu.memory_space<vmem>>) target(%dma_start3A_434 : memref<16x1024xf32, #tpu.memory_space<hbm>>) target_semaphore(%dma_start3A_431 : memref<!tpu.dma_semaphore, #tpu.memory_space<semaphore_mem>>)
    %add3A_439 = arith.constant 32 : i32
    %add3A_440 = arith.addi %mul3A_2, %add3A_439 : i32
    %dma_wait3A_441 = arith.constant 2 : i32
    %dma_wait3A_442 = arith.constant 0 : i32
    %dma_wait3A_443 = arith.constant 2 : i32
    %dma_wait3A_444 = arith.constant 0 : i32
    %dma_wait3A_445 = arith.constant 0 : i32
    %dma_wait3A_446 = tpu.memref_slice %arg4[%dma_wait3A_441, %dma_wait3A_444, %dma_wait3A_445] : memref<7x16x1024xf32, #tpu.memory_space<vmem>> -> memref<1x16x1024xf32, #tpu.memory_space<vmem>>
    %dma_wait3A_447 = tpu.memref_squeeze %dma_wait3A_446 : memref<1x16x1024xf32, #tpu.memory_space<vmem>> -> memref<16x1024xf32, #tpu.memory_space<vmem>>
    %dma_wait3A_448 = arith.constant 0 : i32
    %dma_wait3A_449 = tpu.memref_slice %arg3[%dma_wait3A_442, %add3A_440, %dma_wait3A_448] : memref<1x8192x1024xf32, #tpu.memory_space<hbm>> -> memref<1x16x1024xf32, #tpu.memory_space<hbm>>
    %dma_wait3A_450 = tpu.memref_squeeze %dma_wait3A_449 : memref<1x16x1024xf32, #tpu.memory_space<hbm>> -> memref<16x1024xf32, #tpu.memory_space<hbm>>
    %dma_wait3A_451 = tpu.memref_slice %arg6[%dma_wait3A_443] : memref<7x!tpu.dma_semaphore, #tpu.memory_space<semaphore_mem>> -> memref<1x!tpu.dma_semaphore, #tpu.memory_space<semaphore_mem>>
    %dma_wait3A_452 = tpu.memref_squeeze %dma_wait3A_451 : memref<1x!tpu.dma_semaphore, #tpu.memory_space<semaphore_mem>> -> memref<!tpu.dma_semaphore, #tpu.memory_space<semaphore_mem>>
    %dma_wait3A_453 = arith.constant 0 : i32
    %dma_wait3A_454 = tpu.memref_slice %arg3[%dma_wait3A_442, %add3A_440, %dma_wait3A_453] : memref<1x8192x1024xf32, #tpu.memory_space<hbm>> -> memref<1x16x1024xf32, #tpu.memory_space<hbm>>
    %dma_wait3A_455 = tpu.memref_squeeze %dma_wait3A_454 : memref<1x16x1024xf32, #tpu.memory_space<hbm>> -> memref<16x1024xf32, #tpu.memory_space<hbm>>
    %dma_wait3A_456 = arith.constant 0 : i32
    %dma_wait3A_457 = arith.constant 0 : i32
    %dma_wait3A_458 = tpu.memref_slice %arg4[%dma_wait3A_441, %dma_wait3A_456, %dma_wait3A_457] : memref<7x16x1024xf32, #tpu.memory_space<vmem>> -> memref<1x16x1024xf32, #tpu.memory_space<vmem>>
    %dma_wait3A_459 = tpu.memref_squeeze %dma_wait3A_458 : memref<1x16x1024xf32, #tpu.memory_space<vmem>> -> memref<16x1024xf32, #tpu.memory_space<vmem>>
    tpu.wait_dma2 semaphore(%dma_wait3A_452 : memref<!tpu.dma_semaphore, #tpu.memory_space<semaphore_mem>>) src(%dma_wait3A_459 : memref<16x1024xf32, #tpu.memory_space<vmem>>) dst(%dma_wait3A_455 : memref<16x1024xf32, #tpu.memory_space<hbm>>)
    %add3A_460 = arith.constant 144 : i32
    %add3A_461 = arith.addi %mul3A_2, %add3A_460 : i32
    %dma_start3A_462 = arith.constant 2 : i32
    %dma_start3A_463 = arith.constant 2 : i32
    %dma_start3A_464 = arith.constant 0 : i32
    %dma_start3A_465 = arith.constant 0 : i32
    %dma_start3A_466 = tpu.memref_slice %arg4[%dma_start3A_462, %dma_start3A_464, %dma_start3A_465] : memref<7x16x1024xf32, #tpu.memory_space<vmem>> -> memref<1x16x1024xf32, #tpu.memory_space<vmem>>
    %dma_start3A_467 = tpu.memref_squeeze %dma_start3A_466 : memref<1x16x1024xf32, #tpu.memory_space<vmem>> -> memref<16x1024xf32, #tpu.memory_space<vmem>>
    %dma_start3A_468 = arith.constant 0 : i32
    %dma_start3A_469 = tpu.memref_slice %arg2[%add3A_461, %dma_start3A_468] : memref<8192x1024xf32, #tpu.memory_space<hbm>> -> memref<16x1024xf32, #tpu.memory_space<hbm>>
    %dma_start3A_470 = tpu.memref_slice %arg5[%dma_start3A_463] : memref<7x!tpu.dma_semaphore, #tpu.memory_space<semaphore_mem>> -> memref<1x!tpu.dma_semaphore, #tpu.memory_space<semaphore_mem>>
    %dma_start3A_471 = tpu.memref_squeeze %dma_start3A_470 : memref<1x!tpu.dma_semaphore, #tpu.memory_space<semaphore_mem>> -> memref<!tpu.dma_semaphore, #tpu.memory_space<semaphore_mem>>
    %dma_start3A_472 = arith.constant 0 : i32
    %dma_start3A_473 = arith.constant 0 : i32
    %dma_start3A_474 = tpu.memref_slice %arg4[%dma_start3A_462, %dma_start3A_472, %dma_start3A_473] : memref<7x16x1024xf32, #tpu.memory_space<vmem>> -> memref<1x16x1024xf32, #tpu.memory_space<vmem>>
    %dma_start3A_475 = tpu.memref_squeeze %dma_start3A_474 : memref<1x16x1024xf32, #tpu.memory_space<vmem>> -> memref<16x1024xf32, #tpu.memory_space<vmem>>
    %dma_start3A_476 = arith.constant 0 : i32
    %dma_start3A_477 = tpu.memref_slice %arg2[%add3A_461, %dma_start3A_476] : memref<8192x1024xf32, #tpu.memory_space<hbm>> -> memref<16x1024xf32, #tpu.memory_space<hbm>>
    tpu.enqueue_dma source(%dma_start3A_477 : memref<16x1024xf32, #tpu.memory_space<hbm>>) target(%dma_start3A_475 : memref<16x1024xf32, #tpu.memory_space<vmem>>) target_semaphore(%dma_start3A_471 : memref<!tpu.dma_semaphore, #tpu.memory_space<semaphore_mem>>)
    %add3A_478 = arith.constant 96 : i32
    %add3A_479 = arith.addi %mul3A_2, %add3A_478 : i32
    %dma_wait3A_480 = arith.constant 6 : i32
    %dma_wait3A_481 = arith.constant 6 : i32
    %dma_wait3A_482 = arith.constant 0 : i32
    %dma_wait3A_483 = arith.constant 0 : i32
    %dma_wait3A_484 = tpu.memref_slice %arg4[%dma_wait3A_480, %dma_wait3A_482, %dma_wait3A_483] : memref<7x16x1024xf32, #tpu.memory_space<vmem>> -> memref<1x16x1024xf32, #tpu.memory_space<vmem>>
    %dma_wait3A_485 = tpu.memref_squeeze %dma_wait3A_484 : memref<1x16x1024xf32, #tpu.memory_space<vmem>> -> memref<16x1024xf32, #tpu.memory_space<vmem>>
    %dma_wait3A_486 = arith.constant 0 : i32
    %dma_wait3A_487 = tpu.memref_slice %arg2[%add3A_479, %dma_wait3A_486] : memref<8192x1024xf32, #tpu.memory_space<hbm>> -> memref<16x1024xf32, #tpu.memory_space<hbm>>
    %dma_wait3A_488 = tpu.memref_slice %arg5[%dma_wait3A_481] : memref<7x!tpu.dma_semaphore, #tpu.memory_space<semaphore_mem>> -> memref<1x!tpu.dma_semaphore, #tpu.memory_space<semaphore_mem>>
    %dma_wait3A_489 = tpu.memref_squeeze %dma_wait3A_488 : memref<1x!tpu.dma_semaphore, #tpu.memory_space<semaphore_mem>> -> memref<!tpu.dma_semaphore, #tpu.memory_space<semaphore_mem>>
    %dma_wait3A_490 = arith.constant 0 : i32
    %dma_wait3A_491 = arith.constant 0 : i32
    %dma_wait3A_492 = tpu.memref_slice %arg4[%dma_wait3A_480, %dma_wait3A_490, %dma_wait3A_491] : memref<7x16x1024xf32, #tpu.memory_space<vmem>> -> memref<1x16x1024xf32, #tpu.memory_space<vmem>>
    %dma_wait3A_493 = tpu.memref_squeeze %dma_wait3A_492 : memref<1x16x1024xf32, #tpu.memory_space<vmem>> -> memref<16x1024xf32, #tpu.memory_space<vmem>>
    %dma_wait3A_494 = arith.constant 0 : i32
    %dma_wait3A_495 = tpu.memref_slice %arg2[%add3A_479, %dma_wait3A_494] : memref<8192x1024xf32, #tpu.memory_space<hbm>> -> memref<16x1024xf32, #tpu.memory_space<hbm>>
    tpu.wait_dma2 semaphore(%dma_wait3A_489 : memref<!tpu.dma_semaphore, #tpu.memory_space<semaphore_mem>>) src(%dma_wait3A_495 : memref<16x1024xf32, #tpu.memory_space<hbm>>) dst(%dma_wait3A_493 : memref<16x1024xf32, #tpu.memory_space<vmem>>)
    %add3A_496 = arith.constant 96 : i32
    %add3A_497 = arith.addi %mul3A_2, %add3A_496 : i32
    %dma_start3A_498 = arith.constant 6 : i32
    %dma_start3A_499 = arith.constant 0 : i32
    %dma_start3A_500 = arith.constant 6 : i32
    %dma_start3A_501 = arith.constant 0 : i32
    %dma_start3A_502 = arith.constant 0 : i32
    %dma_start3A_503 = tpu.memref_slice %arg4[%dma_start3A_498, %dma_start3A_501, %dma_start3A_502] : memref<7x16x1024xf32, #tpu.memory_space<vmem>> -> memref<1x16x1024xf32, #tpu.memory_space<vmem>>
    %dma_start3A_504 = tpu.memref_squeeze %dma_start3A_503 : memref<1x16x1024xf32, #tpu.memory_space<vmem>> -> memref<16x1024xf32, #tpu.memory_space<vmem>>
    %dma_start3A_505 = arith.constant 0 : i32
    %dma_start3A_506 = tpu.memref_slice %arg3[%dma_start3A_499, %add3A_497, %dma_start3A_505] : memref<1x8192x1024xf32, #tpu.memory_space<hbm>> -> memref<1x16x1024xf32, #tpu.memory_space<hbm>>
    %dma_start3A_507 = tpu.memref_squeeze %dma_start3A_506 : memref<1x16x1024xf32, #tpu.memory_space<hbm>> -> memref<16x1024xf32, #tpu.memory_space<hbm>>
    %dma_start3A_508 = tpu.memref_slice %arg6[%dma_start3A_500] : memref<7x!tpu.dma_semaphore, #tpu.memory_space<semaphore_mem>> -> memref<1x!tpu.dma_semaphore, #tpu.memory_space<semaphore_mem>>
    %dma_start3A_509 = tpu.memref_squeeze %dma_start3A_508 : memref<1x!tpu.dma_semaphore, #tpu.memory_space<semaphore_mem>> -> memref<!tpu.dma_semaphore, #tpu.memory_space<semaphore_mem>>
    %dma_start3A_510 = arith.constant 0 : i32
    %dma_start3A_511 = tpu.memref_slice %arg3[%dma_start3A_499, %add3A_497, %dma_start3A_510] : memref<1x8192x1024xf32, #tpu.memory_space<hbm>> -> memref<1x16x1024xf32, #tpu.memory_space<hbm>>
    %dma_start3A_512 = tpu.memref_squeeze %dma_start3A_511 : memref<1x16x1024xf32, #tpu.memory_space<hbm>> -> memref<16x1024xf32, #tpu.memory_space<hbm>>
    %dma_start3A_513 = arith.constant 0 : i32
    %dma_start3A_514 = arith.constant 0 : i32
    %dma_start3A_515 = tpu.memref_slice %arg4[%dma_start3A_498, %dma_start3A_513, %dma_start3A_514] : memref<7x16x1024xf32, #tpu.memory_space<vmem>> -> memref<1x16x1024xf32, #tpu.memory_space<vmem>>
    %dma_start3A_516 = tpu.memref_squeeze %dma_start3A_515 : memref<1x16x1024xf32, #tpu.memory_space<vmem>> -> memref<16x1024xf32, #tpu.memory_space<vmem>>
    tpu.enqueue_dma source(%dma_start3A_516 : memref<16x1024xf32, #tpu.memory_space<vmem>>) target(%dma_start3A_512 : memref<16x1024xf32, #tpu.memory_space<hbm>>) target_semaphore(%dma_start3A_509 : memref<!tpu.dma_semaphore, #tpu.memory_space<semaphore_mem>>)
    %add3A_517 = arith.constant 48 : i32
    %add3A_518 = arith.addi %mul3A_2, %add3A_517 : i32
    %dma_wait3A_519 = arith.constant 3 : i32
    %dma_wait3A_520 = arith.constant 0 : i32
    %dma_wait3A_521 = arith.constant 3 : i32
    %dma_wait3A_522 = arith.constant 0 : i32
    %dma_wait3A_523 = arith.constant 0 : i32
    %dma_wait3A_524 = tpu.memref_slice %arg4[%dma_wait3A_519, %dma_wait3A_522, %dma_wait3A_523] : memref<7x16x1024xf32, #tpu.memory_space<vmem>> -> memref<1x16x1024xf32, #tpu.memory_space<vmem>>
    %dma_wait3A_525 = tpu.memref_squeeze %dma_wait3A_524 : memref<1x16x1024xf32, #tpu.memory_space<vmem>> -> memref<16x1024xf32, #tpu.memory_space<vmem>>
    %dma_wait3A_526 = arith.constant 0 : i32
    %dma_wait3A_527 = tpu.memref_slice %arg3[%dma_wait3A_520, %add3A_518, %dma_wait3A_526] : memref<1x8192x1024xf32, #tpu.memory_space<hbm>> -> memref<1x16x1024xf32, #tpu.memory_space<hbm>>
    %dma_wait3A_528 = tpu.memref_squeeze %dma_wait3A_527 : memref<1x16x1024xf32, #tpu.memory_space<hbm>> -> memref<16x1024xf32, #tpu.memory_space<hbm>>
    %dma_wait3A_529 = tpu.memref_slice %arg6[%dma_wait3A_521] : memref<7x!tpu.dma_semaphore, #tpu.memory_space<semaphore_mem>> -> memref<1x!tpu.dma_semaphore, #tpu.memory_space<semaphore_mem>>
    %dma_wait3A_530 = tpu.memref_squeeze %dma_wait3A_529 : memref<1x!tpu.dma_semaphore, #tpu.memory_space<semaphore_mem>> -> memref<!tpu.dma_semaphore, #tpu.memory_space<semaphore_mem>>
    %dma_wait3A_531 = arith.constant 0 : i32
    %dma_wait3A_532 = tpu.memref_slice %arg3[%dma_wait3A_520, %add3A_518, %dma_wait3A_531] : memref<1x8192x1024xf32, #tpu.memory_space<hbm>> -> memref<1x16x1024xf32, #tpu.memory_space<hbm>>
    %dma_wait3A_533 = tpu.memref_squeeze %dma_wait3A_532 : memref<1x16x1024xf32, #tpu.memory_space<hbm>> -> memref<16x1024xf32, #tpu.memory_space<hbm>>
    %dma_wait3A_534 = arith.constant 0 : i32
    %dma_wait3A_535 = arith.constant 0 : i32
    %dma_wait3A_536 = tpu.memref_slice %arg4[%dma_wait3A_519, %dma_wait3A_534, %dma_wait3A_535] : memref<7x16x1024xf32, #tpu.memory_space<vmem>> -> memref<1x16x1024xf32, #tpu.memory_space<vmem>>
    %dma_wait3A_537 = tpu.memref_squeeze %dma_wait3A_536 : memref<1x16x1024xf32, #tpu.memory_space<vmem>> -> memref<16x1024xf32, #tpu.memory_space<vmem>>
    tpu.wait_dma2 semaphore(%dma_wait3A_530 : memref<!tpu.dma_semaphore, #tpu.memory_space<semaphore_mem>>) src(%dma_wait3A_537 : memref<16x1024xf32, #tpu.memory_space<vmem>>) dst(%dma_wait3A_533 : memref<16x1024xf32, #tpu.memory_space<hbm>>)
    %add3A_538 = arith.constant 160 : i32
    %add3A_539 = arith.addi %mul3A_2, %add3A_538 : i32
    %dma_start3A_540 = arith.constant 3 : i32
    %dma_start3A_541 = arith.constant 3 : i32
    %dma_start3A_542 = arith.constant 0 : i32
    %dma_start3A_543 = arith.constant 0 : i32
    %dma_start3A_544 = tpu.memref_slice %arg4[%dma_start3A_540, %dma_start3A_542, %dma_start3A_543] : memref<7x16x1024xf32, #tpu.memory_space<vmem>> -> memref<1x16x1024xf32, #tpu.memory_space<vmem>>
    %dma_start3A_545 = tpu.memref_squeeze %dma_start3A_544 : memref<1x16x1024xf32, #tpu.memory_space<vmem>> -> memref<16x1024xf32, #tpu.memory_space<vmem>>
    %dma_start3A_546 = arith.constant 0 : i32
    %dma_start3A_547 = tpu.memref_slice %arg2[%add3A_539, %dma_start3A_546] : memref<8192x1024xf32, #tpu.memory_space<hbm>> -> memref<16x1024xf32, #tpu.memory_space<hbm>>
    %dma_start3A_548 = tpu.memref_slice %arg5[%dma_start3A_541] : memref<7x!tpu.dma_semaphore, #tpu.memory_space<semaphore_mem>> -> memref<1x!tpu.dma_semaphore, #tpu.memory_space<semaphore_mem>>
    %dma_start3A_549 = tpu.memref_squeeze %dma_start3A_548 : memref<1x!tpu.dma_semaphore, #tpu.memory_space<semaphore_mem>> -> memref<!tpu.dma_semaphore, #tpu.memory_space<semaphore_mem>>
    %dma_start3A_550 = arith.constant 0 : i32
    %dma_start3A_551 = arith.constant 0 : i32
    %dma_start3A_552 = tpu.memref_slice %arg4[%dma_start3A_540, %dma_start3A_550, %dma_start3A_551] : memref<7x16x1024xf32, #tpu.memory_space<vmem>> -> memref<1x16x1024xf32, #tpu.memory_space<vmem>>
    %dma_start3A_553 = tpu.memref_squeeze %dma_start3A_552 : memref<1x16x1024xf32, #tpu.memory_space<vmem>> -> memref<16x1024xf32, #tpu.memory_space<vmem>>
    %dma_start3A_554 = arith.constant 0 : i32
    %dma_start3A_555 = tpu.memref_slice %arg2[%add3A_539, %dma_start3A_554] : memref<8192x1024xf32, #tpu.memory_space<hbm>> -> memref<16x1024xf32, #tpu.memory_space<hbm>>
    tpu.enqueue_dma source(%dma_start3A_555 : memref<16x1024xf32, #tpu.memory_space<hbm>>) target(%dma_start3A_553 : memref<16x1024xf32, #tpu.memory_space<vmem>>) target_semaphore(%dma_start3A_549 : memref<!tpu.dma_semaphore, #tpu.memory_space<semaphore_mem>>)
    %add3A_556 = arith.constant 112 : i32
    %add3A_557 = arith.addi %mul3A_2, %add3A_556 : i32
    %dma_wait3A_558 = arith.constant 0 : i32
    %dma_wait3A_559 = arith.constant 0 : i32
    %dma_wait3A_560 = arith.constant 0 : i32
    %dma_wait3A_561 = arith.constant 0 : i32
    %dma_wait3A_562 = tpu.memref_slice %arg4[%dma_wait3A_558, %dma_wait3A_560, %dma_wait3A_561] : memref<7x16x1024xf32, #tpu.memory_space<vmem>> -> memref<1x16x1024xf32, #tpu.memory_space<vmem>>
    %dma_wait3A_563 = tpu.memref_squeeze %dma_wait3A_562 : memref<1x16x1024xf32, #tpu.memory_space<vmem>> -> memref<16x1024xf32, #tpu.memory_space<vmem>>
    %dma_wait3A_564 = arith.constant 0 : i32
    %dma_wait3A_565 = tpu.memref_slice %arg2[%add3A_557, %dma_wait3A_564] : memref<8192x1024xf32, #tpu.memory_space<hbm>> -> memref<16x1024xf32, #tpu.memory_space<hbm>>
    %dma_wait3A_566 = tpu.memref_slice %arg5[%dma_wait3A_559] : memref<7x!tpu.dma_semaphore, #tpu.memory_space<semaphore_mem>> -> memref<1x!tpu.dma_semaphore, #tpu.memory_space<semaphore_mem>>
    %dma_wait3A_567 = tpu.memref_squeeze %dma_wait3A_566 : memref<1x!tpu.dma_semaphore, #tpu.memory_space<semaphore_mem>> -> memref<!tpu.dma_semaphore, #tpu.memory_space<semaphore_mem>>
    %dma_wait3A_568 = arith.constant 0 : i32
    %dma_wait3A_569 = arith.constant 0 : i32
    %dma_wait3A_570 = tpu.memref_slice %arg4[%dma_wait3A_558, %dma_wait3A_568, %dma_wait3A_569] : memref<7x16x1024xf32, #tpu.memory_space<vmem>> -> memref<1x16x1024xf32, #tpu.memory_space<vmem>>
    %dma_wait3A_571 = tpu.memref_squeeze %dma_wait3A_570 : memref<1x16x1024xf32, #tpu.memory_space<vmem>> -> memref<16x1024xf32, #tpu.memory_space<vmem>>
    %dma_wait3A_572 = arith.constant 0 : i32
    %dma_wait3A_573 = tpu.memref_slice %arg2[%add3A_557, %dma_wait3A_572] : memref<8192x1024xf32, #tpu.memory_space<hbm>> -> memref<16x1024xf32, #tpu.memory_space<hbm>>
    tpu.wait_dma2 semaphore(%dma_wait3A_567 : memref<!tpu.dma_semaphore, #tpu.memory_space<semaphore_mem>>) src(%dma_wait3A_573 : memref<16x1024xf32, #tpu.memory_space<hbm>>) dst(%dma_wait3A_571 : memref<16x1024xf32, #tpu.memory_space<vmem>>)
    %add3A_574 = arith.constant 112 : i32
    %add3A_575 = arith.addi %mul3A_2, %add3A_574 : i32
    %dma_start3A_576 = arith.constant 0 : i32
    %dma_start3A_577 = arith.constant 0 : i32
    %dma_start3A_578 = arith.constant 0 : i32
    %dma_start3A_579 = arith.constant 0 : i32
    %dma_start3A_580 = arith.constant 0 : i32
    %dma_start3A_581 = tpu.memref_slice %arg4[%dma_start3A_576, %dma_start3A_579, %dma_start3A_580] : memref<7x16x1024xf32, #tpu.memory_space<vmem>> -> memref<1x16x1024xf32, #tpu.memory_space<vmem>>
    %dma_start3A_582 = tpu.memref_squeeze %dma_start3A_581 : memref<1x16x1024xf32, #tpu.memory_space<vmem>> -> memref<16x1024xf32, #tpu.memory_space<vmem>>
    %dma_start3A_583 = arith.constant 0 : i32
    %dma_start3A_584 = tpu.memref_slice %arg3[%dma_start3A_577, %add3A_575, %dma_start3A_583] : memref<1x8192x1024xf32, #tpu.memory_space<hbm>> -> memref<1x16x1024xf32, #tpu.memory_space<hbm>>
    %dma_start3A_585 = tpu.memref_squeeze %dma_start3A_584 : memref<1x16x1024xf32, #tpu.memory_space<hbm>> -> memref<16x1024xf32, #tpu.memory_space<hbm>>
    %dma_start3A_586 = tpu.memref_slice %arg6[%dma_start3A_578] : memref<7x!tpu.dma_semaphore, #tpu.memory_space<semaphore_mem>> -> memref<1x!tpu.dma_semaphore, #tpu.memory_space<semaphore_mem>>
    %dma_start3A_587 = tpu.memref_squeeze %dma_start3A_586 : memref<1x!tpu.dma_semaphore, #tpu.memory_space<semaphore_mem>> -> memref<!tpu.dma_semaphore, #tpu.memory_space<semaphore_mem>>
    %dma_start3A_588 = arith.constant 0 : i32
    %dma_start3A_589 = tpu.memref_slice %arg3[%dma_start3A_577, %add3A_575, %dma_start3A_588] : memref<1x8192x1024xf32, #tpu.memory_space<hbm>> -> memref<1x16x1024xf32, #tpu.memory_space<hbm>>
    %dma_start3A_590 = tpu.memref_squeeze %dma_start3A_589 : memref<1x16x1024xf32, #tpu.memory_space<hbm>> -> memref<16x1024xf32, #tpu.memory_space<hbm>>
    %dma_start3A_591 = arith.constant 0 : i32
    %dma_start3A_592 = arith.constant 0 : i32
    %dma_start3A_593 = tpu.memref_slice %arg4[%dma_start3A_576, %dma_start3A_591, %dma_start3A_592] : memref<7x16x1024xf32, #tpu.memory_space<vmem>> -> memref<1x16x1024xf32, #tpu.memory_space<vmem>>
    %dma_start3A_594 = tpu.memref_squeeze %dma_start3A_593 : memref<1x16x1024xf32, #tpu.memory_space<vmem>> -> memref<16x1024xf32, #tpu.memory_space<vmem>>
    tpu.enqueue_dma source(%dma_start3A_594 : memref<16x1024xf32, #tpu.memory_space<vmem>>) target(%dma_start3A_590 : memref<16x1024xf32, #tpu.memory_space<hbm>>) target_semaphore(%dma_start3A_587 : memref<!tpu.dma_semaphore, #tpu.memory_space<semaphore_mem>>)
    %add3A_595 = arith.constant 64 : i32
    %add3A_596 = arith.addi %mul3A_2, %add3A_595 : i32
    %dma_wait3A_597 = arith.constant 4 : i32
    %dma_wait3A_598 = arith.constant 0 : i32
    %dma_wait3A_599 = arith.constant 4 : i32
    %dma_wait3A_600 = arith.constant 0 : i32
    %dma_wait3A_601 = arith.constant 0 : i32
    %dma_wait3A_602 = tpu.memref_slice %arg4[%dma_wait3A_597, %dma_wait3A_600, %dma_wait3A_601] : memref<7x16x1024xf32, #tpu.memory_space<vmem>> -> memref<1x16x1024xf32, #tpu.memory_space<vmem>>
    %dma_wait3A_603 = tpu.memref_squeeze %dma_wait3A_602 : memref<1x16x1024xf32, #tpu.memory_space<vmem>> -> memref<16x1024xf32, #tpu.memory_space<vmem>>
    %dma_wait3A_604 = arith.constant 0 : i32
    %dma_wait3A_605 = tpu.memref_slice %arg3[%dma_wait3A_598, %add3A_596, %dma_wait3A_604] : memref<1x8192x1024xf32, #tpu.memory_space<hbm>> -> memref<1x16x1024xf32, #tpu.memory_space<hbm>>
    %dma_wait3A_606 = tpu.memref_squeeze %dma_wait3A_605 : memref<1x16x1024xf32, #tpu.memory_space<hbm>> -> memref<16x1024xf32, #tpu.memory_space<hbm>>
    %dma_wait3A_607 = tpu.memref_slice %arg6[%dma_wait3A_599] : memref<7x!tpu.dma_semaphore, #tpu.memory_space<semaphore_mem>> -> memref<1x!tpu.dma_semaphore, #tpu.memory_space<semaphore_mem>>
    %dma_wait3A_608 = tpu.memref_squeeze %dma_wait3A_607 : memref<1x!tpu.dma_semaphore, #tpu.memory_space<semaphore_mem>> -> memref<!tpu.dma_semaphore, #tpu.memory_space<semaphore_mem>>
    %dma_wait3A_609 = arith.constant 0 : i32
    %dma_wait3A_610 = tpu.memref_slice %arg3[%dma_wait3A_598, %add3A_596, %dma_wait3A_609] : memref<1x8192x1024xf32, #tpu.memory_space<hbm>> -> memref<1x16x1024xf32, #tpu.memory_space<hbm>>
    %dma_wait3A_611 = tpu.memref_squeeze %dma_wait3A_610 : memref<1x16x1024xf32, #tpu.memory_space<hbm>> -> memref<16x1024xf32, #tpu.memory_space<hbm>>
    %dma_wait3A_612 = arith.constant 0 : i32
    %dma_wait3A_613 = arith.constant 0 : i32
    %dma_wait3A_614 = tpu.memref_slice %arg4[%dma_wait3A_597, %dma_wait3A_612, %dma_wait3A_613] : memref<7x16x1024xf32, #tpu.memory_space<vmem>> -> memref<1x16x1024xf32, #tpu.memory_space<vmem>>
    %dma_wait3A_615 = tpu.memref_squeeze %dma_wait3A_614 : memref<1x16x1024xf32, #tpu.memory_space<vmem>> -> memref<16x1024xf32, #tpu.memory_space<vmem>>
    tpu.wait_dma2 semaphore(%dma_wait3A_608 : memref<!tpu.dma_semaphore, #tpu.memory_space<semaphore_mem>>) src(%dma_wait3A_615 : memref<16x1024xf32, #tpu.memory_space<vmem>>) dst(%dma_wait3A_611 : memref<16x1024xf32, #tpu.memory_space<hbm>>)
    %add3A_616 = arith.constant 176 : i32
    %add3A_617 = arith.addi %mul3A_2, %add3A_616 : i32
    %dma_start3A_618 = arith.constant 4 : i32
    %dma_start3A_619 = arith.constant 4 : i32
    %dma_start3A_620 = arith.constant 0 : i32
    %dma_start3A_621 = arith.constant 0 : i32
    %dma_start3A_622 = tpu.memref_slice %arg4[%dma_start3A_618, %dma_start3A_620, %dma_start3A_621] : memref<7x16x1024xf32, #tpu.memory_space<vmem>> -> memref<1x16x1024xf32, #tpu.memory_space<vmem>>
    %dma_start3A_623 = tpu.memref_squeeze %dma_start3A_622 : memref<1x16x1024xf32, #tpu.memory_space<vmem>> -> memref<16x1024xf32, #tpu.memory_space<vmem>>
    %dma_start3A_624 = arith.constant 0 : i32
    %dma_start3A_625 = tpu.memref_slice %arg2[%add3A_617, %dma_start3A_624] : memref<8192x1024xf32, #tpu.memory_space<hbm>> -> memref<16x1024xf32, #tpu.memory_space<hbm>>
    %dma_start3A_626 = tpu.memref_slice %arg5[%dma_start3A_619] : memref<7x!tpu.dma_semaphore, #tpu.memory_space<semaphore_mem>> -> memref<1x!tpu.dma_semaphore, #tpu.memory_space<semaphore_mem>>
    %dma_start3A_627 = tpu.memref_squeeze %dma_start3A_626 : memref<1x!tpu.dma_semaphore, #tpu.memory_space<semaphore_mem>> -> memref<!tpu.dma_semaphore, #tpu.memory_space<semaphore_mem>>
    %dma_start3A_628 = arith.constant 0 : i32
    %dma_start3A_629 = arith.constant 0 : i32
    %dma_start3A_630 = tpu.memref_slice %arg4[%dma_start3A_618, %dma_start3A_628, %dma_start3A_629] : memref<7x16x1024xf32, #tpu.memory_space<vmem>> -> memref<1x16x1024xf32, #tpu.memory_space<vmem>>
    %dma_start3A_631 = tpu.memref_squeeze %dma_start3A_630 : memref<1x16x1024xf32, #tpu.memory_space<vmem>> -> memref<16x1024xf32, #tpu.memory_space<vmem>>
    %dma_start3A_632 = arith.constant 0 : i32
    %dma_start3A_633 = tpu.memref_slice %arg2[%add3A_617, %dma_start3A_632] : memref<8192x1024xf32, #tpu.memory_space<hbm>> -> memref<16x1024xf32, #tpu.memory_space<hbm>>
    tpu.enqueue_dma source(%dma_start3A_633 : memref<16x1024xf32, #tpu.memory_space<hbm>>) target(%dma_start3A_631 : memref<16x1024xf32, #tpu.memory_space<vmem>>) target_semaphore(%dma_start3A_627 : memref<!tpu.dma_semaphore, #tpu.memory_space<semaphore_mem>>)
    %add3A_634 = arith.constant 128 : i32
    %add3A_635 = arith.addi %mul3A_2, %add3A_634 : i32
    %dma_wait3A_636 = arith.constant 1 : i32
    %dma_wait3A_637 = arith.constant 1 : i32
    %dma_wait3A_638 = arith.constant 0 : i32
    %dma_wait3A_639 = arith.constant 0 : i32
    %dma_wait3A_640 = tpu.memref_slice %arg4[%dma_wait3A_636, %dma_wait3A_638, %dma_wait3A_639] : memref<7x16x1024xf32, #tpu.memory_space<vmem>> -> memref<1x16x1024xf32, #tpu.memory_space<vmem>>
    %dma_wait3A_641 = tpu.memref_squeeze %dma_wait3A_640 : memref<1x16x1024xf32, #tpu.memory_space<vmem>> -> memref<16x1024xf32, #tpu.memory_space<vmem>>
    %dma_wait3A_642 = arith.constant 0 : i32
    %dma_wait3A_643 = tpu.memref_slice %arg2[%add3A_635, %dma_wait3A_642] : memref<8192x1024xf32, #tpu.memory_space<hbm>> -> memref<16x1024xf32, #tpu.memory_space<hbm>>
    %dma_wait3A_644 = tpu.memref_slice %arg5[%dma_wait3A_637] : memref<7x!tpu.dma_semaphore, #tpu.memory_space<semaphore_mem>> -> memref<1x!tpu.dma_semaphore, #tpu.memory_space<semaphore_mem>>
    %dma_wait3A_645 = tpu.memref_squeeze %dma_wait3A_644 : memref<1x!tpu.dma_semaphore, #tpu.memory_space<semaphore_mem>> -> memref<!tpu.dma_semaphore, #tpu.memory_space<semaphore_mem>>
    %dma_wait3A_646 = arith.constant 0 : i32
    %dma_wait3A_647 = arith.constant 0 : i32
    %dma_wait3A_648 = tpu.memref_slice %arg4[%dma_wait3A_636, %dma_wait3A_646, %dma_wait3A_647] : memref<7x16x1024xf32, #tpu.memory_space<vmem>> -> memref<1x16x1024xf32, #tpu.memory_space<vmem>>
    %dma_wait3A_649 = tpu.memref_squeeze %dma_wait3A_648 : memref<1x16x1024xf32, #tpu.memory_space<vmem>> -> memref<16x1024xf32, #tpu.memory_space<vmem>>
    %dma_wait3A_650 = arith.constant 0 : i32
    %dma_wait3A_651 = tpu.memref_slice %arg2[%add3A_635, %dma_wait3A_650] : memref<8192x1024xf32, #tpu.memory_space<hbm>> -> memref<16x1024xf32, #tpu.memory_space<hbm>>
    tpu.wait_dma2 semaphore(%dma_wait3A_645 : memref<!tpu.dma_semaphore, #tpu.memory_space<semaphore_mem>>) src(%dma_wait3A_651 : memref<16x1024xf32, #tpu.memory_space<hbm>>) dst(%dma_wait3A_649 : memref<16x1024xf32, #tpu.memory_space<vmem>>)
    %add3A_652 = arith.constant 128 : i32
    %add3A_653 = arith.addi %mul3A_2, %add3A_652 : i32
    %dma_start3A_654 = arith.constant 1 : i32
    %dma_start3A_655 = arith.constant 0 : i32
    %dma_start3A_656 = arith.constant 1 : i32
    %dma_start3A_657 = arith.constant 0 : i32
    %dma_start3A_658 = arith.constant 0 : i32
    %dma_start3A_659 = tpu.memref_slice %arg4[%dma_start3A_654, %dma_start3A_657, %dma_start3A_658] : memref<7x16x1024xf32, #tpu.memory_space<vmem>> -> memref<1x16x1024xf32, #tpu.memory_space<vmem>>
    %dma_start3A_660 = tpu.memref_squeeze %dma_start3A_659 : memref<1x16x1024xf32, #tpu.memory_space<vmem>> -> memref<16x1024xf32, #tpu.memory_space<vmem>>
    %dma_start3A_661 = arith.constant 0 : i32
    %dma_start3A_662 = tpu.memref_slice %arg3[%dma_start3A_655, %add3A_653, %dma_start3A_661] : memref<1x8192x1024xf32, #tpu.memory_space<hbm>> -> memref<1x16x1024xf32, #tpu.memory_space<hbm>>
    %dma_start3A_663 = tpu.memref_squeeze %dma_start3A_662 : memref<1x16x1024xf32, #tpu.memory_space<hbm>> -> memref<16x1024xf32, #tpu.memory_space<hbm>>
    %dma_start3A_664 = tpu.memref_slice %arg6[%dma_start3A_656] : memref<7x!tpu.dma_semaphore, #tpu.memory_space<semaphore_mem>> -> memref<1x!tpu.dma_semaphore, #tpu.memory_space<semaphore_mem>>
    %dma_start3A_665 = tpu.memref_squeeze %dma_start3A_664 : memref<1x!tpu.dma_semaphore, #tpu.memory_space<semaphore_mem>> -> memref<!tpu.dma_semaphore, #tpu.memory_space<semaphore_mem>>
    %dma_start3A_666 = arith.constant 0 : i32
    %dma_start3A_667 = tpu.memref_slice %arg3[%dma_start3A_655, %add3A_653, %dma_start3A_666] : memref<1x8192x1024xf32, #tpu.memory_space<hbm>> -> memref<1x16x1024xf32, #tpu.memory_space<hbm>>
    %dma_start3A_668 = tpu.memref_squeeze %dma_start3A_667 : memref<1x16x1024xf32, #tpu.memory_space<hbm>> -> memref<16x1024xf32, #tpu.memory_space<hbm>>
    %dma_start3A_669 = arith.constant 0 : i32
    %dma_start3A_670 = arith.constant 0 : i32
    %dma_start3A_671 = tpu.memref_slice %arg4[%dma_start3A_654, %dma_start3A_669, %dma_start3A_670] : memref<7x16x1024xf32, #tpu.memory_space<vmem>> -> memref<1x16x1024xf32, #tpu.memory_space<vmem>>
    %dma_start3A_672 = tpu.memref_squeeze %dma_start3A_671 : memref<1x16x1024xf32, #tpu.memory_space<vmem>> -> memref<16x1024xf32, #tpu.memory_space<vmem>>
    tpu.enqueue_dma source(%dma_start3A_672 : memref<16x1024xf32, #tpu.memory_space<vmem>>) target(%dma_start3A_668 : memref<16x1024xf32, #tpu.memory_space<hbm>>) target_semaphore(%dma_start3A_665 : memref<!tpu.dma_semaphore, #tpu.memory_space<semaphore_mem>>)
    %add3A_673 = arith.constant 80 : i32
    %add3A_674 = arith.addi %mul3A_2, %add3A_673 : i32
    %dma_wait3A_675 = arith.constant 5 : i32
    %dma_wait3A_676 = arith.constant 0 : i32
    %dma_wait3A_677 = arith.constant 5 : i32
    %dma_wait3A_678 = arith.constant 0 : i32
    %dma_wait3A_679 = arith.constant 0 : i32
    %dma_wait3A_680 = tpu.memref_slice %arg4[%dma_wait3A_675, %dma_wait3A_678, %dma_wait3A_679] : memref<7x16x1024xf32, #tpu.memory_space<vmem>> -> memref<1x16x1024xf32, #tpu.memory_space<vmem>>
    %dma_wait3A_681 = tpu.memref_squeeze %dma_wait3A_680 : memref<1x16x1024xf32, #tpu.memory_space<vmem>> -> memref<16x1024xf32, #tpu.memory_space<vmem>>
    %dma_wait3A_682 = arith.constant 0 : i32
    %dma_wait3A_683 = tpu.memref_slice %arg3[%dma_wait3A_676, %add3A_674, %dma_wait3A_682] : memref<1x8192x1024xf32, #tpu.memory_space<hbm>> -> memref<1x16x1024xf32, #tpu.memory_space<hbm>>
    %dma_wait3A_684 = tpu.memref_squeeze %dma_wait3A_683 : memref<1x16x1024xf32, #tpu.memory_space<hbm>> -> memref<16x1024xf32, #tpu.memory_space<hbm>>
    %dma_wait3A_685 = tpu.memref_slice %arg6[%dma_wait3A_677] : memref<7x!tpu.dma_semaphore, #tpu.memory_space<semaphore_mem>> -> memref<1x!tpu.dma_semaphore, #tpu.memory_space<semaphore_mem>>
    %dma_wait3A_686 = tpu.memref_squeeze %dma_wait3A_685 : memref<1x!tpu.dma_semaphore, #tpu.memory_space<semaphore_mem>> -> memref<!tpu.dma_semaphore, #tpu.memory_space<semaphore_mem>>
    %dma_wait3A_687 = arith.constant 0 : i32
    %dma_wait3A_688 = tpu.memref_slice %arg3[%dma_wait3A_676, %add3A_674, %dma_wait3A_687] : memref<1x8192x1024xf32, #tpu.memory_space<hbm>> -> memref<1x16x1024xf32, #tpu.memory_space<hbm>>
    %dma_wait3A_689 = tpu.memref_squeeze %dma_wait3A_688 : memref<1x16x1024xf32, #tpu.memory_space<hbm>> -> memref<16x1024xf32, #tpu.memory_space<hbm>>
    %dma_wait3A_690 = arith.constant 0 : i32
    %dma_wait3A_691 = arith.constant 0 : i32
    %dma_wait3A_692 = tpu.memref_slice %arg4[%dma_wait3A_675, %dma_wait3A_690, %dma_wait3A_691] : memref<7x16x1024xf32, #tpu.memory_space<vmem>> -> memref<1x16x1024xf32, #tpu.memory_space<vmem>>
    %dma_wait3A_693 = tpu.memref_squeeze %dma_wait3A_692 : memref<1x16x1024xf32, #tpu.memory_space<vmem>> -> memref<16x1024xf32, #tpu.memory_space<vmem>>
    tpu.wait_dma2 semaphore(%dma_wait3A_686 : memref<!tpu.dma_semaphore, #tpu.memory_space<semaphore_mem>>) src(%dma_wait3A_693 : memref<16x1024xf32, #tpu.memory_space<vmem>>) dst(%dma_wait3A_689 : memref<16x1024xf32, #tpu.memory_space<hbm>>)
    %add3A_694 = arith.constant 192 : i32
    %add3A_695 = arith.addi %mul3A_2, %add3A_694 : i32
    %dma_start3A_696 = arith.constant 5 : i32
    %dma_start3A_697 = arith.constant 5 : i32
    %dma_start3A_698 = arith.constant 0 : i32
    %dma_start3A_699 = arith.constant 0 : i32
    %dma_start3A_700 = tpu.memref_slice %arg4[%dma_start3A_696, %dma_start3A_698, %dma_start3A_699] : memref<7x16x1024xf32, #tpu.memory_space<vmem>> -> memref<1x16x1024xf32, #tpu.memory_space<vmem>>
    %dma_start3A_701 = tpu.memref_squeeze %dma_start3A_700 : memref<1x16x1024xf32, #tpu.memory_space<vmem>> -> memref<16x1024xf32, #tpu.memory_space<vmem>>
    %dma_start3A_702 = arith.constant 0 : i32
    %dma_start3A_703 = tpu.memref_slice %arg2[%add3A_695, %dma_start3A_702] : memref<8192x1024xf32, #tpu.memory_space<hbm>> -> memref<16x1024xf32, #tpu.memory_space<hbm>>
    %dma_start3A_704 = tpu.memref_slice %arg5[%dma_start3A_697] : memref<7x!tpu.dma_semaphore, #tpu.memory_space<semaphore_mem>> -> memref<1x!tpu.dma_semaphore, #tpu.memory_space<semaphore_mem>>
    %dma_start3A_705 = tpu.memref_squeeze %dma_start3A_704 : memref<1x!tpu.dma_semaphore, #tpu.memory_space<semaphore_mem>> -> memref<!tpu.dma_semaphore, #tpu.memory_space<semaphore_mem>>
    %dma_start3A_706 = arith.constant 0 : i32
    %dma_start3A_707 = arith.constant 0 : i32
    %dma_start3A_708 = tpu.memref_slice %arg4[%dma_start3A_696, %dma_start3A_706, %dma_start3A_707] : memref<7x16x1024xf32, #tpu.memory_space<vmem>> -> memref<1x16x1024xf32, #tpu.memory_space<vmem>>
    %dma_start3A_709 = tpu.memref_squeeze %dma_start3A_708 : memref<1x16x1024xf32, #tpu.memory_space<vmem>> -> memref<16x1024xf32, #tpu.memory_space<vmem>>
    %dma_start3A_710 = arith.constant 0 : i32
    %dma_start3A_711 = tpu.memref_slice %arg2[%add3A_695, %dma_start3A_710] : memref<8192x1024xf32, #tpu.memory_space<hbm>> -> memref<16x1024xf32, #tpu.memory_space<hbm>>
    tpu.enqueue_dma source(%dma_start3A_711 : memref<16x1024xf32, #tpu.memory_space<hbm>>) target(%dma_start3A_709 : memref<16x1024xf32, #tpu.memory_space<vmem>>) target_semaphore(%dma_start3A_705 : memref<!tpu.dma_semaphore, #tpu.memory_space<semaphore_mem>>)
    %add3A_712 = arith.constant 144 : i32
    %add3A_713 = arith.addi %mul3A_2, %add3A_712 : i32
    %dma_wait3A_714 = arith.constant 2 : i32
    %dma_wait3A_715 = arith.constant 2 : i32
    %dma_wait3A_716 = arith.constant 0 : i32
    %dma_wait3A_717 = arith.constant 0 : i32
    %dma_wait3A_718 = tpu.memref_slice %arg4[%dma_wait3A_714, %dma_wait3A_716, %dma_wait3A_717] : memref<7x16x1024xf32, #tpu.memory_space<vmem>> -> memref<1x16x1024xf32, #tpu.memory_space<vmem>>
    %dma_wait3A_719 = tpu.memref_squeeze %dma_wait3A_718 : memref<1x16x1024xf32, #tpu.memory_space<vmem>> -> memref<16x1024xf32, #tpu.memory_space<vmem>>
    %dma_wait3A_720 = arith.constant 0 : i32
    %dma_wait3A_721 = tpu.memref_slice %arg2[%add3A_713, %dma_wait3A_720] : memref<8192x1024xf32, #tpu.memory_space<hbm>> -> memref<16x1024xf32, #tpu.memory_space<hbm>>
    %dma_wait3A_722 = tpu.memref_slice %arg5[%dma_wait3A_715] : memref<7x!tpu.dma_semaphore, #tpu.memory_space<semaphore_mem>> -> memref<1x!tpu.dma_semaphore, #tpu.memory_space<semaphore_mem>>
    %dma_wait3A_723 = tpu.memref_squeeze %dma_wait3A_722 : memref<1x!tpu.dma_semaphore, #tpu.memory_space<semaphore_mem>> -> memref<!tpu.dma_semaphore, #tpu.memory_space<semaphore_mem>>
    %dma_wait3A_724 = arith.constant 0 : i32
    %dma_wait3A_725 = arith.constant 0 : i32
    %dma_wait3A_726 = tpu.memref_slice %arg4[%dma_wait3A_714, %dma_wait3A_724, %dma_wait3A_725] : memref<7x16x1024xf32, #tpu.memory_space<vmem>> -> memref<1x16x1024xf32, #tpu.memory_space<vmem>>
    %dma_wait3A_727 = tpu.memref_squeeze %dma_wait3A_726 : memref<1x16x1024xf32, #tpu.memory_space<vmem>> -> memref<16x1024xf32, #tpu.memory_space<vmem>>
    %dma_wait3A_728 = arith.constant 0 : i32
    %dma_wait3A_729 = tpu.memref_slice %arg2[%add3A_713, %dma_wait3A_728] : memref<8192x1024xf32, #tpu.memory_space<hbm>> -> memref<16x1024xf32, #tpu.memory_space<hbm>>
    tpu.wait_dma2 semaphore(%dma_wait3A_723 : memref<!tpu.dma_semaphore, #tpu.memory_space<semaphore_mem>>) src(%dma_wait3A_729 : memref<16x1024xf32, #tpu.memory_space<hbm>>) dst(%dma_wait3A_727 : memref<16x1024xf32, #tpu.memory_space<vmem>>)
    %add3A_730 = arith.constant 144 : i32
    %add3A_731 = arith.addi %mul3A_2, %add3A_730 : i32
    %dma_start3A_732 = arith.constant 2 : i32
    %dma_start3A_733 = arith.constant 0 : i32
    %dma_start3A_734 = arith.constant 2 : i32
    %dma_start3A_735 = arith.constant 0 : i32
    %dma_start3A_736 = arith.constant 0 : i32
    %dma_start3A_737 = tpu.memref_slice %arg4[%dma_start3A_732, %dma_start3A_735, %dma_start3A_736] : memref<7x16x1024xf32, #tpu.memory_space<vmem>> -> memref<1x16x1024xf32, #tpu.memory_space<vmem>>
    %dma_start3A_738 = tpu.memref_squeeze %dma_start3A_737 : memref<1x16x1024xf32, #tpu.memory_space<vmem>> -> memref<16x1024xf32, #tpu.memory_space<vmem>>
    %dma_start3A_739 = arith.constant 0 : i32
    %dma_start3A_740 = tpu.memref_slice %arg3[%dma_start3A_733, %add3A_731, %dma_start3A_739] : memref<1x8192x1024xf32, #tpu.memory_space<hbm>> -> memref<1x16x1024xf32, #tpu.memory_space<hbm>>
    %dma_start3A_741 = tpu.memref_squeeze %dma_start3A_740 : memref<1x16x1024xf32, #tpu.memory_space<hbm>> -> memref<16x1024xf32, #tpu.memory_space<hbm>>
    %dma_start3A_742 = tpu.memref_slice %arg6[%dma_start3A_734] : memref<7x!tpu.dma_semaphore, #tpu.memory_space<semaphore_mem>> -> memref<1x!tpu.dma_semaphore, #tpu.memory_space<semaphore_mem>>
    %dma_start3A_743 = tpu.memref_squeeze %dma_start3A_742 : memref<1x!tpu.dma_semaphore, #tpu.memory_space<semaphore_mem>> -> memref<!tpu.dma_semaphore, #tpu.memory_space<semaphore_mem>>
    %dma_start3A_744 = arith.constant 0 : i32
    %dma_start3A_745 = tpu.memref_slice %arg3[%dma_start3A_733, %add3A_731, %dma_start3A_744] : memref<1x8192x1024xf32, #tpu.memory_space<hbm>> -> memref<1x16x1024xf32, #tpu.memory_space<hbm>>
    %dma_start3A_746 = tpu.memref_squeeze %dma_start3A_745 : memref<1x16x1024xf32, #tpu.memory_space<hbm>> -> memref<16x1024xf32, #tpu.memory_space<hbm>>
    %dma_start3A_747 = arith.constant 0 : i32
    %dma_start3A_748 = arith.constant 0 : i32
    %dma_start3A_749 = tpu.memref_slice %arg4[%dma_start3A_732, %dma_start3A_747, %dma_start3A_748] : memref<7x16x1024xf32, #tpu.memory_space<vmem>> -> memref<1x16x1024xf32, #tpu.memory_space<vmem>>
    %dma_start3A_750 = tpu.memref_squeeze %dma_start3A_749 : memref<1x16x1024xf32, #tpu.memory_space<vmem>> -> memref<16x1024xf32, #tpu.memory_space<vmem>>
    tpu.enqueue_dma source(%dma_start3A_750 : memref<16x1024xf32, #tpu.memory_space<vmem>>) target(%dma_start3A_746 : memref<16x1024xf32, #tpu.memory_space<hbm>>) target_semaphore(%dma_start3A_743 : memref<!tpu.dma_semaphore, #tpu.memory_space<semaphore_mem>>)
    %add3A_751 = arith.constant 96 : i32
    %add3A_752 = arith.addi %mul3A_2, %add3A_751 : i32
    %dma_wait3A_753 = arith.constant 6 : i32
    %dma_wait3A_754 = arith.constant 0 : i32
    %dma_wait3A_755 = arith.constant 6 : i32
    %dma_wait3A_756 = arith.constant 0 : i32
    %dma_wait3A_757 = arith.constant 0 : i32
    %dma_wait3A_758 = tpu.memref_slice %arg4[%dma_wait3A_753, %dma_wait3A_756, %dma_wait3A_757] : memref<7x16x1024xf32, #tpu.memory_space<vmem>> -> memref<1x16x1024xf32, #tpu.memory_space<vmem>>
    %dma_wait3A_759 = tpu.memref_squeeze %dma_wait3A_758 : memref<1x16x1024xf32, #tpu.memory_space<vmem>> -> memref<16x1024xf32, #tpu.memory_space<vmem>>
    %dma_wait3A_760 = arith.constant 0 : i32
    %dma_wait3A_761 = tpu.memref_slice %arg3[%dma_wait3A_754, %add3A_752, %dma_wait3A_760] : memref<1x8192x1024xf32, #tpu.memory_space<hbm>> -> memref<1x16x1024xf32, #tpu.memory_space<hbm>>
    %dma_wait3A_762 = tpu.memref_squeeze %dma_wait3A_761 : memref<1x16x1024xf32, #tpu.memory_space<hbm>> -> memref<16x1024xf32, #tpu.memory_space<hbm>>
    %dma_wait3A_763 = tpu.memref_slice %arg6[%dma_wait3A_755] : memref<7x!tpu.dma_semaphore, #tpu.memory_space<semaphore_mem>> -> memref<1x!tpu.dma_semaphore, #tpu.memory_space<semaphore_mem>>
    %dma_wait3A_764 = tpu.memref_squeeze %dma_wait3A_763 : memref<1x!tpu.dma_semaphore, #tpu.memory_space<semaphore_mem>> -> memref<!tpu.dma_semaphore, #tpu.memory_space<semaphore_mem>>
    %dma_wait3A_765 = arith.constant 0 : i32
    %dma_wait3A_766 = tpu.memref_slice %arg3[%dma_wait3A_754, %add3A_752, %dma_wait3A_765] : memref<1x8192x1024xf32, #tpu.memory_space<hbm>> -> memref<1x16x1024xf32, #tpu.memory_space<hbm>>
    %dma_wait3A_767 = tpu.memref_squeeze %dma_wait3A_766 : memref<1x16x1024xf32, #tpu.memory_space<hbm>> -> memref<16x1024xf32, #tpu.memory_space<hbm>>
    %dma_wait3A_768 = arith.constant 0 : i32
    %dma_wait3A_769 = arith.constant 0 : i32
    %dma_wait3A_770 = tpu.memref_slice %arg4[%dma_wait3A_753, %dma_wait3A_768, %dma_wait3A_769] : memref<7x16x1024xf32, #tpu.memory_space<vmem>> -> memref<1x16x1024xf32, #tpu.memory_space<vmem>>
    %dma_wait3A_771 = tpu.memref_squeeze %dma_wait3A_770 : memref<1x16x1024xf32, #tpu.memory_space<vmem>> -> memref<16x1024xf32, #tpu.memory_space<vmem>>
    tpu.wait_dma2 semaphore(%dma_wait3A_764 : memref<!tpu.dma_semaphore, #tpu.memory_space<semaphore_mem>>) src(%dma_wait3A_771 : memref<16x1024xf32, #tpu.memory_space<vmem>>) dst(%dma_wait3A_767 : memref<16x1024xf32, #tpu.memory_space<hbm>>)
    %add3A_772 = arith.constant 208 : i32
    %add3A_773 = arith.addi %mul3A_2, %add3A_772 : i32
    %dma_start3A_774 = arith.constant 6 : i32
    %dma_start3A_775 = arith.constant 6 : i32
    %dma_start3A_776 = arith.constant 0 : i32
    %dma_start3A_777 = arith.constant 0 : i32
    %dma_start3A_778 = tpu.memref_slice %arg4[%dma_start3A_774, %dma_start3A_776, %dma_start3A_777] : memref<7x16x1024xf32, #tpu.memory_space<vmem>> -> memref<1x16x1024xf32, #tpu.memory_space<vmem>>
    %dma_start3A_779 = tpu.memref_squeeze %dma_start3A_778 : memref<1x16x1024xf32, #tpu.memory_space<vmem>> -> memref<16x1024xf32, #tpu.memory_space<vmem>>
    %dma_start3A_780 = arith.constant 0 : i32
    %dma_start3A_781 = tpu.memref_slice %arg2[%add3A_773, %dma_start3A_780] : memref<8192x1024xf32, #tpu.memory_space<hbm>> -> memref<16x1024xf32, #tpu.memory_space<hbm>>
    %dma_start3A_782 = tpu.memref_slice %arg5[%dma_start3A_775] : memref<7x!tpu.dma_semaphore, #tpu.memory_space<semaphore_mem>> -> memref<1x!tpu.dma_semaphore, #tpu.memory_space<semaphore_mem>>
    %dma_start3A_783 = tpu.memref_squeeze %dma_start3A_782 : memref<1x!tpu.dma_semaphore, #tpu.memory_space<semaphore_mem>> -> memref<!tpu.dma_semaphore, #tpu.memory_space<semaphore_mem>>
    %dma_start3A_784 = arith.constant 0 : i32
    %dma_start3A_785 = arith.constant 0 : i32
    %dma_start3A_786 = tpu.memref_slice %arg4[%dma_start3A_774, %dma_start3A_784, %dma_start3A_785] : memref<7x16x1024xf32, #tpu.memory_space<vmem>> -> memref<1x16x1024xf32, #tpu.memory_space<vmem>>
    %dma_start3A_787 = tpu.memref_squeeze %dma_start3A_786 : memref<1x16x1024xf32, #tpu.memory_space<vmem>> -> memref<16x1024xf32, #tpu.memory_space<vmem>>
    %dma_start3A_788 = arith.constant 0 : i32
    %dma_start3A_789 = tpu.memref_slice %arg2[%add3A_773, %dma_start3A_788] : memref<8192x1024xf32, #tpu.memory_space<hbm>> -> memref<16x1024xf32, #tpu.memory_space<hbm>>
    tpu.enqueue_dma source(%dma_start3A_789 : memref<16x1024xf32, #tpu.memory_space<hbm>>) target(%dma_start3A_787 : memref<16x1024xf32, #tpu.memory_space<vmem>>) target_semaphore(%dma_start3A_783 : memref<!tpu.dma_semaphore, #tpu.memory_space<semaphore_mem>>)
    %add3A_790 = arith.constant 160 : i32
    %add3A_791 = arith.addi %mul3A_2, %add3A_790 : i32
    %dma_wait3A_792 = arith.constant 3 : i32
    %dma_wait3A_793 = arith.constant 3 : i32
    %dma_wait3A_794 = arith.constant 0 : i32
    %dma_wait3A_795 = arith.constant 0 : i32
    %dma_wait3A_796 = tpu.memref_slice %arg4[%dma_wait3A_792, %dma_wait3A_794, %dma_wait3A_795] : memref<7x16x1024xf32, #tpu.memory_space<vmem>> -> memref<1x16x1024xf32, #tpu.memory_space<vmem>>
    %dma_wait3A_797 = tpu.memref_squeeze %dma_wait3A_796 : memref<1x16x1024xf32, #tpu.memory_space<vmem>> -> memref<16x1024xf32, #tpu.memory_space<vmem>>
    %dma_wait3A_798 = arith.constant 0 : i32
    %dma_wait3A_799 = tpu.memref_slice %arg2[%add3A_791, %dma_wait3A_798] : memref<8192x1024xf32, #tpu.memory_space<hbm>> -> memref<16x1024xf32, #tpu.memory_space<hbm>>
    %dma_wait3A_800 = tpu.memref_slice %arg5[%dma_wait3A_793] : memref<7x!tpu.dma_semaphore, #tpu.memory_space<semaphore_mem>> -> memref<1x!tpu.dma_semaphore, #tpu.memory_space<semaphore_mem>>
    %dma_wait3A_801 = tpu.memref_squeeze %dma_wait3A_800 : memref<1x!tpu.dma_semaphore, #tpu.memory_space<semaphore_mem>> -> memref<!tpu.dma_semaphore, #tpu.memory_space<semaphore_mem>>
    %dma_wait3A_802 = arith.constant 0 : i32
    %dma_wait3A_803 = arith.constant 0 : i32
    %dma_wait3A_804 = tpu.memref_slice %arg4[%dma_wait3A_792, %dma_wait3A_802, %dma_wait3A_803] : memref<7x16x1024xf32, #tpu.memory_space<vmem>> -> memref<1x16x1024xf32, #tpu.memory_space<vmem>>
    %dma_wait3A_805 = tpu.memref_squeeze %dma_wait3A_804 : memref<1x16x1024xf32, #tpu.memory_space<vmem>> -> memref<16x1024xf32, #tpu.memory_space<vmem>>
    %dma_wait3A_806 = arith.constant 0 : i32
    %dma_wait3A_807 = tpu.memref_slice %arg2[%add3A_791, %dma_wait3A_806] : memref<8192x1024xf32, #tpu.memory_space<hbm>> -> memref<16x1024xf32, #tpu.memory_space<hbm>>
    tpu.wait_dma2 semaphore(%dma_wait3A_801 : memref<!tpu.dma_semaphore, #tpu.memory_space<semaphore_mem>>) src(%dma_wait3A_807 : memref<16x1024xf32, #tpu.memory_space<hbm>>) dst(%dma_wait3A_805 : memref<16x1024xf32, #tpu.memory_space<vmem>>)
    %add3A_808 = arith.constant 160 : i32
    %add3A_809 = arith.addi %mul3A_2, %add3A_808 : i32
    %dma_start3A_810 = arith.constant 3 : i32
    %dma_start3A_811 = arith.constant 0 : i32
    %dma_start3A_812 = arith.constant 3 : i32
    %dma_start3A_813 = arith.constant 0 : i32
    %dma_start3A_814 = arith.constant 0 : i32
    %dma_start3A_815 = tpu.memref_slice %arg4[%dma_start3A_810, %dma_start3A_813, %dma_start3A_814] : memref<7x16x1024xf32, #tpu.memory_space<vmem>> -> memref<1x16x1024xf32, #tpu.memory_space<vmem>>
    %dma_start3A_816 = tpu.memref_squeeze %dma_start3A_815 : memref<1x16x1024xf32, #tpu.memory_space<vmem>> -> memref<16x1024xf32, #tpu.memory_space<vmem>>
    %dma_start3A_817 = arith.constant 0 : i32
    %dma_start3A_818 = tpu.memref_slice %arg3[%dma_start3A_811, %add3A_809, %dma_start3A_817] : memref<1x8192x1024xf32, #tpu.memory_space<hbm>> -> memref<1x16x1024xf32, #tpu.memory_space<hbm>>
    %dma_start3A_819 = tpu.memref_squeeze %dma_start3A_818 : memref<1x16x1024xf32, #tpu.memory_space<hbm>> -> memref<16x1024xf32, #tpu.memory_space<hbm>>
    %dma_start3A_820 = tpu.memref_slice %arg6[%dma_start3A_812] : memref<7x!tpu.dma_semaphore, #tpu.memory_space<semaphore_mem>> -> memref<1x!tpu.dma_semaphore, #tpu.memory_space<semaphore_mem>>
    %dma_start3A_821 = tpu.memref_squeeze %dma_start3A_820 : memref<1x!tpu.dma_semaphore, #tpu.memory_space<semaphore_mem>> -> memref<!tpu.dma_semaphore, #tpu.memory_space<semaphore_mem>>
    %dma_start3A_822 = arith.constant 0 : i32
    %dma_start3A_823 = tpu.memref_slice %arg3[%dma_start3A_811, %add3A_809, %dma_start3A_822] : memref<1x8192x1024xf32, #tpu.memory_space<hbm>> -> memref<1x16x1024xf32, #tpu.memory_space<hbm>>
    %dma_start3A_824 = tpu.memref_squeeze %dma_start3A_823 : memref<1x16x1024xf32, #tpu.memory_space<hbm>> -> memref<16x1024xf32, #tpu.memory_space<hbm>>
    %dma_start3A_825 = arith.constant 0 : i32
    %dma_start3A_826 = arith.constant 0 : i32
    %dma_start3A_827 = tpu.memref_slice %arg4[%dma_start3A_810, %dma_start3A_825, %dma_start3A_826] : memref<7x16x1024xf32, #tpu.memory_space<vmem>> -> memref<1x16x1024xf32, #tpu.memory_space<vmem>>
    %dma_start3A_828 = tpu.memref_squeeze %dma_start3A_827 : memref<1x16x1024xf32, #tpu.memory_space<vmem>> -> memref<16x1024xf32, #tpu.memory_space<vmem>>
    tpu.enqueue_dma source(%dma_start3A_828 : memref<16x1024xf32, #tpu.memory_space<vmem>>) target(%dma_start3A_824 : memref<16x1024xf32, #tpu.memory_space<hbm>>) target_semaphore(%dma_start3A_821 : memref<!tpu.dma_semaphore, #tpu.memory_space<semaphore_mem>>)
    %add3A_829 = arith.constant 112 : i32
    %add3A_830 = arith.addi %mul3A_2, %add3A_829 : i32
    %dma_wait3A_831 = arith.constant 0 : i32
    %dma_wait3A_832 = arith.constant 0 : i32
    %dma_wait3A_833 = arith.constant 0 : i32
    %dma_wait3A_834 = arith.constant 0 : i32
    %dma_wait3A_835 = arith.constant 0 : i32
    %dma_wait3A_836 = tpu.memref_slice %arg4[%dma_wait3A_831, %dma_wait3A_834, %dma_wait3A_835] : memref<7x16x1024xf32, #tpu.memory_space<vmem>> -> memref<1x16x1024xf32, #tpu.memory_space<vmem>>
    %dma_wait3A_837 = tpu.memref_squeeze %dma_wait3A_836 : memref<1x16x1024xf32, #tpu.memory_space<vmem>> -> memref<16x1024xf32, #tpu.memory_space<vmem>>
    %dma_wait3A_838 = arith.constant 0 : i32
    %dma_wait3A_839 = tpu.memref_slice %arg3[%dma_wait3A_832, %add3A_830, %dma_wait3A_838] : memref<1x8192x1024xf32, #tpu.memory_space<hbm>> -> memref<1x16x1024xf32, #tpu.memory_space<hbm>>
    %dma_wait3A_840 = tpu.memref_squeeze %dma_wait3A_839 : memref<1x16x1024xf32, #tpu.memory_space<hbm>> -> memref<16x1024xf32, #tpu.memory_space<hbm>>
    %dma_wait3A_841 = tpu.memref_slice %arg6[%dma_wait3A_833] : memref<7x!tpu.dma_semaphore, #tpu.memory_space<semaphore_mem>> -> memref<1x!tpu.dma_semaphore, #tpu.memory_space<semaphore_mem>>
    %dma_wait3A_842 = tpu.memref_squeeze %dma_wait3A_841 : memref<1x!tpu.dma_semaphore, #tpu.memory_space<semaphore_mem>> -> memref<!tpu.dma_semaphore, #tpu.memory_space<semaphore_mem>>
    %dma_wait3A_843 = arith.constant 0 : i32
    %dma_wait3A_844 = tpu.memref_slice %arg3[%dma_wait3A_832, %add3A_830, %dma_wait3A_843] : memref<1x8192x1024xf32, #tpu.memory_space<hbm>> -> memref<1x16x1024xf32, #tpu.memory_space<hbm>>
    %dma_wait3A_845 = tpu.memref_squeeze %dma_wait3A_844 : memref<1x16x1024xf32, #tpu.memory_space<hbm>> -> memref<16x1024xf32, #tpu.memory_space<hbm>>
    %dma_wait3A_846 = arith.constant 0 : i32
    %dma_wait3A_847 = arith.constant 0 : i32
    %dma_wait3A_848 = tpu.memref_slice %arg4[%dma_wait3A_831, %dma_wait3A_846, %dma_wait3A_847] : memref<7x16x1024xf32, #tpu.memory_space<vmem>> -> memref<1x16x1024xf32, #tpu.memory_space<vmem>>
    %dma_wait3A_849 = tpu.memref_squeeze %dma_wait3A_848 : memref<1x16x1024xf32, #tpu.memory_space<vmem>> -> memref<16x1024xf32, #tpu.memory_space<vmem>>
    tpu.wait_dma2 semaphore(%dma_wait3A_842 : memref<!tpu.dma_semaphore, #tpu.memory_space<semaphore_mem>>) src(%dma_wait3A_849 : memref<16x1024xf32, #tpu.memory_space<vmem>>) dst(%dma_wait3A_845 : memref<16x1024xf32, #tpu.memory_space<hbm>>)
    %add3A_850 = arith.constant 224 : i32
    %add3A_851 = arith.addi %mul3A_2, %add3A_850 : i32
    %dma_start3A_852 = arith.constant 0 : i32
    %dma_start3A_853 = arith.constant 0 : i32
    %dma_start3A_854 = arith.constant 0 : i32
    %dma_start3A_855 = arith.constant 0 : i32
    %dma_start3A_856 = tpu.memref_slice %arg4[%dma_start3A_852, %dma_start3A_854, %dma_start3A_855] : memref<7x16x1024xf32, #tpu.memory_space<vmem>> -> memref<1x16x1024xf32, #tpu.memory_space<vmem>>
    %dma_start3A_857 = tpu.memref_squeeze %dma_start3A_856 : memref<1x16x1024xf32, #tpu.memory_space<vmem>> -> memref<16x1024xf32, #tpu.memory_space<vmem>>
    %dma_start3A_858 = arith.constant 0 : i32
    %dma_start3A_859 = tpu.memref_slice %arg2[%add3A_851, %dma_start3A_858] : memref<8192x1024xf32, #tpu.memory_space<hbm>> -> memref<16x1024xf32, #tpu.memory_space<hbm>>
    %dma_start3A_860 = tpu.memref_slice %arg5[%dma_start3A_853] : memref<7x!tpu.dma_semaphore, #tpu.memory_space<semaphore_mem>> -> memref<1x!tpu.dma_semaphore, #tpu.memory_space<semaphore_mem>>
    %dma_start3A_861 = tpu.memref_squeeze %dma_start3A_860 : memref<1x!tpu.dma_semaphore, #tpu.memory_space<semaphore_mem>> -> memref<!tpu.dma_semaphore, #tpu.memory_space<semaphore_mem>>
    %dma_start3A_862 = arith.constant 0 : i32
    %dma_start3A_863 = arith.constant 0 : i32
    %dma_start3A_864 = tpu.memref_slice %arg4[%dma_start3A_852, %dma_start3A_862, %dma_start3A_863] : memref<7x16x1024xf32, #tpu.memory_space<vmem>> -> memref<1x16x1024xf32, #tpu.memory_space<vmem>>
    %dma_start3A_865 = tpu.memref_squeeze %dma_start3A_864 : memref<1x16x1024xf32, #tpu.memory_space<vmem>> -> memref<16x1024xf32, #tpu.memory_space<vmem>>
    %dma_start3A_866 = arith.constant 0 : i32
    %dma_start3A_867 = tpu.memref_slice %arg2[%add3A_851, %dma_start3A_866] : memref<8192x1024xf32, #tpu.memory_space<hbm>> -> memref<16x1024xf32, #tpu.memory_space<hbm>>
    tpu.enqueue_dma source(%dma_start3A_867 : memref<16x1024xf32, #tpu.memory_space<hbm>>) target(%dma_start3A_865 : memref<16x1024xf32, #tpu.memory_space<vmem>>) target_semaphore(%dma_start3A_861 : memref<!tpu.dma_semaphore, #tpu.memory_space<semaphore_mem>>)
    %add3A_868 = arith.constant 176 : i32
    %add3A_869 = arith.addi %mul3A_2, %add3A_868 : i32
    %dma_wait3A_870 = arith.constant 4 : i32
    %dma_wait3A_871 = arith.constant 4 : i32
    %dma_wait3A_872 = arith.constant 0 : i32
    %dma_wait3A_873 = arith.constant 0 : i32
    %dma_wait3A_874 = tpu.memref_slice %arg4[%dma_wait3A_870, %dma_wait3A_872, %dma_wait3A_873] : memref<7x16x1024xf32, #tpu.memory_space<vmem>> -> memref<1x16x1024xf32, #tpu.memory_space<vmem>>
    %dma_wait3A_875 = tpu.memref_squeeze %dma_wait3A_874 : memref<1x16x1024xf32, #tpu.memory_space<vmem>> -> memref<16x1024xf32, #tpu.memory_space<vmem>>
    %dma_wait3A_876 = arith.constant 0 : i32
    %dma_wait3A_877 = tpu.memref_slice %arg2[%add3A_869, %dma_wait3A_876] : memref<8192x1024xf32, #tpu.memory_space<hbm>> -> memref<16x1024xf32, #tpu.memory_space<hbm>>
    %dma_wait3A_878 = tpu.memref_slice %arg5[%dma_wait3A_871] : memref<7x!tpu.dma_semaphore, #tpu.memory_space<semaphore_mem>> -> memref<1x!tpu.dma_semaphore, #tpu.memory_space<semaphore_mem>>
    %dma_wait3A_879 = tpu.memref_squeeze %dma_wait3A_878 : memref<1x!tpu.dma_semaphore, #tpu.memory_space<semaphore_mem>> -> memref<!tpu.dma_semaphore, #tpu.memory_space<semaphore_mem>>
    %dma_wait3A_880 = arith.constant 0 : i32
    %dma_wait3A_881 = arith.constant 0 : i32
    %dma_wait3A_882 = tpu.memref_slice %arg4[%dma_wait3A_870, %dma_wait3A_880, %dma_wait3A_881] : memref<7x16x1024xf32, #tpu.memory_space<vmem>> -> memref<1x16x1024xf32, #tpu.memory_space<vmem>>
    %dma_wait3A_883 = tpu.memref_squeeze %dma_wait3A_882 : memref<1x16x1024xf32, #tpu.memory_space<vmem>> -> memref<16x1024xf32, #tpu.memory_space<vmem>>
    %dma_wait3A_884 = arith.constant 0 : i32
    %dma_wait3A_885 = tpu.memref_slice %arg2[%add3A_869, %dma_wait3A_884] : memref<8192x1024xf32, #tpu.memory_space<hbm>> -> memref<16x1024xf32, #tpu.memory_space<hbm>>
    tpu.wait_dma2 semaphore(%dma_wait3A_879 : memref<!tpu.dma_semaphore, #tpu.memory_space<semaphore_mem>>) src(%dma_wait3A_885 : memref<16x1024xf32, #tpu.memory_space<hbm>>) dst(%dma_wait3A_883 : memref<16x1024xf32, #tpu.memory_space<vmem>>)
    %add3A_886 = arith.constant 176 : i32
    %add3A_887 = arith.addi %mul3A_2, %add3A_886 : i32
    %dma_start3A_888 = arith.constant 4 : i32
    %dma_start3A_889 = arith.constant 0 : i32
    %dma_start3A_890 = arith.constant 4 : i32
    %dma_start3A_891 = arith.constant 0 : i32
    %dma_start3A_892 = arith.constant 0 : i32
    %dma_start3A_893 = tpu.memref_slice %arg4[%dma_start3A_888, %dma_start3A_891, %dma_start3A_892] : memref<7x16x1024xf32, #tpu.memory_space<vmem>> -> memref<1x16x1024xf32, #tpu.memory_space<vmem>>
    %dma_start3A_894 = tpu.memref_squeeze %dma_start3A_893 : memref<1x16x1024xf32, #tpu.memory_space<vmem>> -> memref<16x1024xf32, #tpu.memory_space<vmem>>
    %dma_start3A_895 = arith.constant 0 : i32
    %dma_start3A_896 = tpu.memref_slice %arg3[%dma_start3A_889, %add3A_887, %dma_start3A_895] : memref<1x8192x1024xf32, #tpu.memory_space<hbm>> -> memref<1x16x1024xf32, #tpu.memory_space<hbm>>
    %dma_start3A_897 = tpu.memref_squeeze %dma_start3A_896 : memref<1x16x1024xf32, #tpu.memory_space<hbm>> -> memref<16x1024xf32, #tpu.memory_space<hbm>>
    %dma_start3A_898 = tpu.memref_slice %arg6[%dma_start3A_890] : memref<7x!tpu.dma_semaphore, #tpu.memory_space<semaphore_mem>> -> memref<1x!tpu.dma_semaphore, #tpu.memory_space<semaphore_mem>>
    %dma_start3A_899 = tpu.memref_squeeze %dma_start3A_898 : memref<1x!tpu.dma_semaphore, #tpu.memory_space<semaphore_mem>> -> memref<!tpu.dma_semaphore, #tpu.memory_space<semaphore_mem>>
    %dma_start3A_900 = arith.constant 0 : i32
    %dma_start3A_901 = tpu.memref_slice %arg3[%dma_start3A_889, %add3A_887, %dma_start3A_900] : memref<1x8192x1024xf32, #tpu.memory_space<hbm>> -> memref<1x16x1024xf32, #tpu.memory_space<hbm>>
    %dma_start3A_902 = tpu.memref_squeeze %dma_start3A_901 : memref<1x16x1024xf32, #tpu.memory_space<hbm>> -> memref<16x1024xf32, #tpu.memory_space<hbm>>
    %dma_start3A_903 = arith.constant 0 : i32
    %dma_start3A_904 = arith.constant 0 : i32
    %dma_start3A_905 = tpu.memref_slice %arg4[%dma_start3A_888, %dma_start3A_903, %dma_start3A_904] : memref<7x16x1024xf32, #tpu.memory_space<vmem>> -> memref<1x16x1024xf32, #tpu.memory_space<vmem>>
    %dma_start3A_906 = tpu.memref_squeeze %dma_start3A_905 : memref<1x16x1024xf32, #tpu.memory_space<vmem>> -> memref<16x1024xf32, #tpu.memory_space<vmem>>
    tpu.enqueue_dma source(%dma_start3A_906 : memref<16x1024xf32, #tpu.memory_space<vmem>>) target(%dma_start3A_902 : memref<16x1024xf32, #tpu.memory_space<hbm>>) target_semaphore(%dma_start3A_899 : memref<!tpu.dma_semaphore, #tpu.memory_space<semaphore_mem>>)
    %add3A_907 = arith.constant 128 : i32
    %add3A_908 = arith.addi %mul3A_2, %add3A_907 : i32
    %dma_wait3A_909 = arith.constant 1 : i32
    %dma_wait3A_910 = arith.constant 0 : i32
    %dma_wait3A_911 = arith.constant 1 : i32
    %dma_wait3A_912 = arith.constant 0 : i32
    %dma_wait3A_913 = arith.constant 0 : i32
    %dma_wait3A_914 = tpu.memref_slice %arg4[%dma_wait3A_909, %dma_wait3A_912, %dma_wait3A_913] : memref<7x16x1024xf32, #tpu.memory_space<vmem>> -> memref<1x16x1024xf32, #tpu.memory_space<vmem>>
    %dma_wait3A_915 = tpu.memref_squeeze %dma_wait3A_914 : memref<1x16x1024xf32, #tpu.memory_space<vmem>> -> memref<16x1024xf32, #tpu.memory_space<vmem>>
    %dma_wait3A_916 = arith.constant 0 : i32
    %dma_wait3A_917 = tpu.memref_slice %arg3[%dma_wait3A_910, %add3A_908, %dma_wait3A_916] : memref<1x8192x1024xf32, #tpu.memory_space<hbm>> -> memref<1x16x1024xf32, #tpu.memory_space<hbm>>
    %dma_wait3A_918 = tpu.memref_squeeze %dma_wait3A_917 : memref<1x16x1024xf32, #tpu.memory_space<hbm>> -> memref<16x1024xf32, #tpu.memory_space<hbm>>
    %dma_wait3A_919 = tpu.memref_slice %arg6[%dma_wait3A_911] : memref<7x!tpu.dma_semaphore, #tpu.memory_space<semaphore_mem>> -> memref<1x!tpu.dma_semaphore, #tpu.memory_space<semaphore_mem>>
    %dma_wait3A_920 = tpu.memref_squeeze %dma_wait3A_919 : memref<1x!tpu.dma_semaphore, #tpu.memory_space<semaphore_mem>> -> memref<!tpu.dma_semaphore, #tpu.memory_space<semaphore_mem>>
    %dma_wait3A_921 = arith.constant 0 : i32
    %dma_wait3A_922 = tpu.memref_slice %arg3[%dma_wait3A_910, %add3A_908, %dma_wait3A_921] : memref<1x8192x1024xf32, #tpu.memory_space<hbm>> -> memref<1x16x1024xf32, #tpu.memory_space<hbm>>
    %dma_wait3A_923 = tpu.memref_squeeze %dma_wait3A_922 : memref<1x16x1024xf32, #tpu.memory_space<hbm>> -> memref<16x1024xf32, #tpu.memory_space<hbm>>
    %dma_wait3A_924 = arith.constant 0 : i32
    %dma_wait3A_925 = arith.constant 0 : i32
    %dma_wait3A_926 = tpu.memref_slice %arg4[%dma_wait3A_909, %dma_wait3A_924, %dma_wait3A_925] : memref<7x16x1024xf32, #tpu.memory_space<vmem>> -> memref<1x16x1024xf32, #tpu.memory_space<vmem>>
    %dma_wait3A_927 = tpu.memref_squeeze %dma_wait3A_926 : memref<1x16x1024xf32, #tpu.memory_space<vmem>> -> memref<16x1024xf32, #tpu.memory_space<vmem>>
    tpu.wait_dma2 semaphore(%dma_wait3A_920 : memref<!tpu.dma_semaphore, #tpu.memory_space<semaphore_mem>>) src(%dma_wait3A_927 : memref<16x1024xf32, #tpu.memory_space<vmem>>) dst(%dma_wait3A_923 : memref<16x1024xf32, #tpu.memory_space<hbm>>)
    %add3A_928 = arith.constant 240 : i32
    %add3A_929 = arith.addi %mul3A_2, %add3A_928 : i32
    %dma_start3A_930 = arith.constant 1 : i32
    %dma_start3A_931 = arith.constant 1 : i32
    %dma_start3A_932 = arith.constant 0 : i32
    %dma_start3A_933 = arith.constant 0 : i32
    %dma_start3A_934 = tpu.memref_slice %arg4[%dma_start3A_930, %dma_start3A_932, %dma_start3A_933] : memref<7x16x1024xf32, #tpu.memory_space<vmem>> -> memref<1x16x1024xf32, #tpu.memory_space<vmem>>
    %dma_start3A_935 = tpu.memref_squeeze %dma_start3A_934 : memref<1x16x1024xf32, #tpu.memory_space<vmem>> -> memref<16x1024xf32, #tpu.memory_space<vmem>>
    %dma_start3A_936 = arith.constant 0 : i32
    %dma_start3A_937 = tpu.memref_slice %arg2[%add3A_929, %dma_start3A_936] : memref<8192x1024xf32, #tpu.memory_space<hbm>> -> memref<16x1024xf32, #tpu.memory_space<hbm>>
    %dma_start3A_938 = tpu.memref_slice %arg5[%dma_start3A_931] : memref<7x!tpu.dma_semaphore, #tpu.memory_space<semaphore_mem>> -> memref<1x!tpu.dma_semaphore, #tpu.memory_space<semaphore_mem>>
    %dma_start3A_939 = tpu.memref_squeeze %dma_start3A_938 : memref<1x!tpu.dma_semaphore, #tpu.memory_space<semaphore_mem>> -> memref<!tpu.dma_semaphore, #tpu.memory_space<semaphore_mem>>
    %dma_start3A_940 = arith.constant 0 : i32
    %dma_start3A_941 = arith.constant 0 : i32
    %dma_start3A_942 = tpu.memref_slice %arg4[%dma_start3A_930, %dma_start3A_940, %dma_start3A_941] : memref<7x16x1024xf32, #tpu.memory_space<vmem>> -> memref<1x16x1024xf32, #tpu.memory_space<vmem>>
    %dma_start3A_943 = tpu.memref_squeeze %dma_start3A_942 : memref<1x16x1024xf32, #tpu.memory_space<vmem>> -> memref<16x1024xf32, #tpu.memory_space<vmem>>
    %dma_start3A_944 = arith.constant 0 : i32
    %dma_start3A_945 = tpu.memref_slice %arg2[%add3A_929, %dma_start3A_944] : memref<8192x1024xf32, #tpu.memory_space<hbm>> -> memref<16x1024xf32, #tpu.memory_space<hbm>>
    tpu.enqueue_dma source(%dma_start3A_945 : memref<16x1024xf32, #tpu.memory_space<hbm>>) target(%dma_start3A_943 : memref<16x1024xf32, #tpu.memory_space<vmem>>) target_semaphore(%dma_start3A_939 : memref<!tpu.dma_semaphore, #tpu.memory_space<semaphore_mem>>)
    %add3A_946 = arith.constant 192 : i32
    %add3A_947 = arith.addi %mul3A_2, %add3A_946 : i32
    %dma_wait3A_948 = arith.constant 5 : i32
    %dma_wait3A_949 = arith.constant 5 : i32
    %dma_wait3A_950 = arith.constant 0 : i32
    %dma_wait3A_951 = arith.constant 0 : i32
    %dma_wait3A_952 = tpu.memref_slice %arg4[%dma_wait3A_948, %dma_wait3A_950, %dma_wait3A_951] : memref<7x16x1024xf32, #tpu.memory_space<vmem>> -> memref<1x16x1024xf32, #tpu.memory_space<vmem>>
    %dma_wait3A_953 = tpu.memref_squeeze %dma_wait3A_952 : memref<1x16x1024xf32, #tpu.memory_space<vmem>> -> memref<16x1024xf32, #tpu.memory_space<vmem>>
    %dma_wait3A_954 = arith.constant 0 : i32
    %dma_wait3A_955 = tpu.memref_slice %arg2[%add3A_947, %dma_wait3A_954] : memref<8192x1024xf32, #tpu.memory_space<hbm>> -> memref<16x1024xf32, #tpu.memory_space<hbm>>
    %dma_wait3A_956 = tpu.memref_slice %arg5[%dma_wait3A_949] : memref<7x!tpu.dma_semaphore, #tpu.memory_space<semaphore_mem>> -> memref<1x!tpu.dma_semaphore, #tpu.memory_space<semaphore_mem>>
    %dma_wait3A_957 = tpu.memref_squeeze %dma_wait3A_956 : memref<1x!tpu.dma_semaphore, #tpu.memory_space<semaphore_mem>> -> memref<!tpu.dma_semaphore, #tpu.memory_space<semaphore_mem>>
    %dma_wait3A_958 = arith.constant 0 : i32
    %dma_wait3A_959 = arith.constant 0 : i32
    %dma_wait3A_960 = tpu.memref_slice %arg4[%dma_wait3A_948, %dma_wait3A_958, %dma_wait3A_959] : memref<7x16x1024xf32, #tpu.memory_space<vmem>> -> memref<1x16x1024xf32, #tpu.memory_space<vmem>>
    %dma_wait3A_961 = tpu.memref_squeeze %dma_wait3A_960 : memref<1x16x1024xf32, #tpu.memory_space<vmem>> -> memref<16x1024xf32, #tpu.memory_space<vmem>>
    %dma_wait3A_962 = arith.constant 0 : i32
    %dma_wait3A_963 = tpu.memref_slice %arg2[%add3A_947, %dma_wait3A_962] : memref<8192x1024xf32, #tpu.memory_space<hbm>> -> memref<16x1024xf32, #tpu.memory_space<hbm>>
    tpu.wait_dma2 semaphore(%dma_wait3A_957 : memref<!tpu.dma_semaphore, #tpu.memory_space<semaphore_mem>>) src(%dma_wait3A_963 : memref<16x1024xf32, #tpu.memory_space<hbm>>) dst(%dma_wait3A_961 : memref<16x1024xf32, #tpu.memory_space<vmem>>)
    %add3A_964 = arith.constant 192 : i32
    %add3A_965 = arith.addi %mul3A_2, %add3A_964 : i32
    %dma_start3A_966 = arith.constant 5 : i32
    %dma_start3A_967 = arith.constant 0 : i32
    %dma_start3A_968 = arith.constant 5 : i32
    %dma_start3A_969 = arith.constant 0 : i32
    %dma_start3A_970 = arith.constant 0 : i32
    %dma_start3A_971 = tpu.memref_slice %arg4[%dma_start3A_966, %dma_start3A_969, %dma_start3A_970] : memref<7x16x1024xf32, #tpu.memory_space<vmem>> -> memref<1x16x1024xf32, #tpu.memory_space<vmem>>
    %dma_start3A_972 = tpu.memref_squeeze %dma_start3A_971 : memref<1x16x1024xf32, #tpu.memory_space<vmem>> -> memref<16x1024xf32, #tpu.memory_space<vmem>>
    %dma_start3A_973 = arith.constant 0 : i32
    %dma_start3A_974 = tpu.memref_slice %arg3[%dma_start3A_967, %add3A_965, %dma_start3A_973] : memref<1x8192x1024xf32, #tpu.memory_space<hbm>> -> memref<1x16x1024xf32, #tpu.memory_space<hbm>>
    %dma_start3A_975 = tpu.memref_squeeze %dma_start3A_974 : memref<1x16x1024xf32, #tpu.memory_space<hbm>> -> memref<16x1024xf32, #tpu.memory_space<hbm>>
    %dma_start3A_976 = tpu.memref_slice %arg6[%dma_start3A_968] : memref<7x!tpu.dma_semaphore, #tpu.memory_space<semaphore_mem>> -> memref<1x!tpu.dma_semaphore, #tpu.memory_space<semaphore_mem>>
    %dma_start3A_977 = tpu.memref_squeeze %dma_start3A_976 : memref<1x!tpu.dma_semaphore, #tpu.memory_space<semaphore_mem>> -> memref<!tpu.dma_semaphore, #tpu.memory_space<semaphore_mem>>
    %dma_start3A_978 = arith.constant 0 : i32
    %dma_start3A_979 = tpu.memref_slice %arg3[%dma_start3A_967, %add3A_965, %dma_start3A_978] : memref<1x8192x1024xf32, #tpu.memory_space<hbm>> -> memref<1x16x1024xf32, #tpu.memory_space<hbm>>
    %dma_start3A_980 = tpu.memref_squeeze %dma_start3A_979 : memref<1x16x1024xf32, #tpu.memory_space<hbm>> -> memref<16x1024xf32, #tpu.memory_space<hbm>>
    %dma_start3A_981 = arith.constant 0 : i32
    %dma_start3A_982 = arith.constant 0 : i32
    %dma_start3A_983 = tpu.memref_slice %arg4[%dma_start3A_966, %dma_start3A_981, %dma_start3A_982] : memref<7x16x1024xf32, #tpu.memory_space<vmem>> -> memref<1x16x1024xf32, #tpu.memory_space<vmem>>
    %dma_start3A_984 = tpu.memref_squeeze %dma_start3A_983 : memref<1x16x1024xf32, #tpu.memory_space<vmem>> -> memref<16x1024xf32, #tpu.memory_space<vmem>>
    tpu.enqueue_dma source(%dma_start3A_984 : memref<16x1024xf32, #tpu.memory_space<vmem>>) target(%dma_start3A_980 : memref<16x1024xf32, #tpu.memory_space<hbm>>) target_semaphore(%dma_start3A_977 : memref<!tpu.dma_semaphore, #tpu.memory_space<semaphore_mem>>)
    %add3A_985 = arith.constant 208 : i32
    %add3A_986 = arith.addi %mul3A_2, %add3A_985 : i32
    %dma_wait3A_987 = arith.constant 6 : i32
    %dma_wait3A_988 = arith.constant 6 : i32
    %dma_wait3A_989 = arith.constant 0 : i32
    %dma_wait3A_990 = arith.constant 0 : i32
    %dma_wait3A_991 = tpu.memref_slice %arg4[%dma_wait3A_987, %dma_wait3A_989, %dma_wait3A_990] : memref<7x16x1024xf32, #tpu.memory_space<vmem>> -> memref<1x16x1024xf32, #tpu.memory_space<vmem>>
    %dma_wait3A_992 = tpu.memref_squeeze %dma_wait3A_991 : memref<1x16x1024xf32, #tpu.memory_space<vmem>> -> memref<16x1024xf32, #tpu.memory_space<vmem>>
    %dma_wait3A_993 = arith.constant 0 : i32
    %dma_wait3A_994 = tpu.memref_slice %arg2[%add3A_986, %dma_wait3A_993] : memref<8192x1024xf32, #tpu.memory_space<hbm>> -> memref<16x1024xf32, #tpu.memory_space<hbm>>
    %dma_wait3A_995 = tpu.memref_slice %arg5[%dma_wait3A_988] : memref<7x!tpu.dma_semaphore, #tpu.memory_space<semaphore_mem>> -> memref<1x!tpu.dma_semaphore, #tpu.memory_space<semaphore_mem>>
    %dma_wait3A_996 = tpu.memref_squeeze %dma_wait3A_995 : memref<1x!tpu.dma_semaphore, #tpu.memory_space<semaphore_mem>> -> memref<!tpu.dma_semaphore, #tpu.memory_space<semaphore_mem>>
    %dma_wait3A_997 = arith.constant 0 : i32
    %dma_wait3A_998 = arith.constant 0 : i32
    %dma_wait3A_999 = tpu.memref_slice %arg4[%dma_wait3A_987, %dma_wait3A_997, %dma_wait3A_998] : memref<7x16x1024xf32, #tpu.memory_space<vmem>> -> memref<1x16x1024xf32, #tpu.memory_space<vmem>>
    %dma_wait3A_1000 = tpu.memref_squeeze %dma_wait3A_999 : memref<1x16x1024xf32, #tpu.memory_space<vmem>> -> memref<16x1024xf32, #tpu.memory_space<vmem>>
    %dma_wait3A_1001 = arith.constant 0 : i32
    %dma_wait3A_1002 = tpu.memref_slice %arg2[%add3A_986, %dma_wait3A_1001] : memref<8192x1024xf32, #tpu.memory_space<hbm>> -> memref<16x1024xf32, #tpu.memory_space<hbm>>
    tpu.wait_dma2 semaphore(%dma_wait3A_996 : memref<!tpu.dma_semaphore, #tpu.memory_space<semaphore_mem>>) src(%dma_wait3A_1002 : memref<16x1024xf32, #tpu.memory_space<hbm>>) dst(%dma_wait3A_1000 : memref<16x1024xf32, #tpu.memory_space<vmem>>)
    %add3A_1003 = arith.constant 208 : i32
    %add3A_1004 = arith.addi %mul3A_2, %add3A_1003 : i32
    %dma_start3A_1005 = arith.constant 6 : i32
    %dma_start3A_1006 = arith.constant 0 : i32
    %dma_start3A_1007 = arith.constant 6 : i32
    %dma_start3A_1008 = arith.constant 0 : i32
    %dma_start3A_1009 = arith.constant 0 : i32
    %dma_start3A_1010 = tpu.memref_slice %arg4[%dma_start3A_1005, %dma_start3A_1008, %dma_start3A_1009] : memref<7x16x1024xf32, #tpu.memory_space<vmem>> -> memref<1x16x1024xf32, #tpu.memory_space<vmem>>
    %dma_start3A_1011 = tpu.memref_squeeze %dma_start3A_1010 : memref<1x16x1024xf32, #tpu.memory_space<vmem>> -> memref<16x1024xf32, #tpu.memory_space<vmem>>
    %dma_start3A_1012 = arith.constant 0 : i32
    %dma_start3A_1013 = tpu.memref_slice %arg3[%dma_start3A_1006, %add3A_1004, %dma_start3A_1012] : memref<1x8192x1024xf32, #tpu.memory_space<hbm>> -> memref<1x16x1024xf32, #tpu.memory_space<hbm>>
    %dma_start3A_1014 = tpu.memref_squeeze %dma_start3A_1013 : memref<1x16x1024xf32, #tpu.memory_space<hbm>> -> memref<16x1024xf32, #tpu.memory_space<hbm>>
    %dma_start3A_1015 = tpu.memref_slice %arg6[%dma_start3A_1007] : memref<7x!tpu.dma_semaphore, #tpu.memory_space<semaphore_mem>> -> memref<1x!tpu.dma_semaphore, #tpu.memory_space<semaphore_mem>>
    %dma_start3A_1016 = tpu.memref_squeeze %dma_start3A_1015 : memref<1x!tpu.dma_semaphore, #tpu.memory_space<semaphore_mem>> -> memref<!tpu.dma_semaphore, #tpu.memory_space<semaphore_mem>>
    %dma_start3A_1017 = arith.constant 0 : i32
    %dma_start3A_1018 = tpu.memref_slice %arg3[%dma_start3A_1006, %add3A_1004, %dma_start3A_1017] : memref<1x8192x1024xf32, #tpu.memory_space<hbm>> -> memref<1x16x1024xf32, #tpu.memory_space<hbm>>
    %dma_start3A_1019 = tpu.memref_squeeze %dma_start3A_1018 : memref<1x16x1024xf32, #tpu.memory_space<hbm>> -> memref<16x1024xf32, #tpu.memory_space<hbm>>
    %dma_start3A_1020 = arith.constant 0 : i32
    %dma_start3A_1021 = arith.constant 0 : i32
    %dma_start3A_1022 = tpu.memref_slice %arg4[%dma_start3A_1005, %dma_start3A_1020, %dma_start3A_1021] : memref<7x16x1024xf32, #tpu.memory_space<vmem>> -> memref<1x16x1024xf32, #tpu.memory_space<vmem>>
    %dma_start3A_1023 = tpu.memref_squeeze %dma_start3A_1022 : memref<1x16x1024xf32, #tpu.memory_space<vmem>> -> memref<16x1024xf32, #tpu.memory_space<vmem>>
    tpu.enqueue_dma source(%dma_start3A_1023 : memref<16x1024xf32, #tpu.memory_space<vmem>>) target(%dma_start3A_1019 : memref<16x1024xf32, #tpu.memory_space<hbm>>) target_semaphore(%dma_start3A_1016 : memref<!tpu.dma_semaphore, #tpu.memory_space<semaphore_mem>>)
    %add3A_1024 = arith.constant 224 : i32
    %add3A_1025 = arith.addi %mul3A_2, %add3A_1024 : i32
    %dma_wait3A_1026 = arith.constant 0 : i32
    %dma_wait3A_1027 = arith.constant 0 : i32
    %dma_wait3A_1028 = arith.constant 0 : i32
    %dma_wait3A_1029 = arith.constant 0 : i32
    %dma_wait3A_1030 = tpu.memref_slice %arg4[%dma_wait3A_1026, %dma_wait3A_1028, %dma_wait3A_1029] : memref<7x16x1024xf32, #tpu.memory_space<vmem>> -> memref<1x16x1024xf32, #tpu.memory_space<vmem>>
    %dma_wait3A_1031 = tpu.memref_squeeze %dma_wait3A_1030 : memref<1x16x1024xf32, #tpu.memory_space<vmem>> -> memref<16x1024xf32, #tpu.memory_space<vmem>>
    %dma_wait3A_1032 = arith.constant 0 : i32
    %dma_wait3A_1033 = tpu.memref_slice %arg2[%add3A_1025, %dma_wait3A_1032] : memref<8192x1024xf32, #tpu.memory_space<hbm>> -> memref<16x1024xf32, #tpu.memory_space<hbm>>
    %dma_wait3A_1034 = tpu.memref_slice %arg5[%dma_wait3A_1027] : memref<7x!tpu.dma_semaphore, #tpu.memory_space<semaphore_mem>> -> memref<1x!tpu.dma_semaphore, #tpu.memory_space<semaphore_mem>>
    %dma_wait3A_1035 = tpu.memref_squeeze %dma_wait3A_1034 : memref<1x!tpu.dma_semaphore, #tpu.memory_space<semaphore_mem>> -> memref<!tpu.dma_semaphore, #tpu.memory_space<semaphore_mem>>
    %dma_wait3A_1036 = arith.constant 0 : i32
    %dma_wait3A_1037 = arith.constant 0 : i32
    %dma_wait3A_1038 = tpu.memref_slice %arg4[%dma_wait3A_1026, %dma_wait3A_1036, %dma_wait3A_1037] : memref<7x16x1024xf32, #tpu.memory_space<vmem>> -> memref<1x16x1024xf32, #tpu.memory_space<vmem>>
    %dma_wait3A_1039 = tpu.memref_squeeze %dma_wait3A_1038 : memref<1x16x1024xf32, #tpu.memory_space<vmem>> -> memref<16x1024xf32, #tpu.memory_space<vmem>>
    %dma_wait3A_1040 = arith.constant 0 : i32
    %dma_wait3A_1041 = tpu.memref_slice %arg2[%add3A_1025, %dma_wait3A_1040] : memref<8192x1024xf32, #tpu.memory_space<hbm>> -> memref<16x1024xf32, #tpu.memory_space<hbm>>
    tpu.wait_dma2 semaphore(%dma_wait3A_1035 : memref<!tpu.dma_semaphore, #tpu.memory_space<semaphore_mem>>) src(%dma_wait3A_1041 : memref<16x1024xf32, #tpu.memory_space<hbm>>) dst(%dma_wait3A_1039 : memref<16x1024xf32, #tpu.memory_space<vmem>>)
    %add3A_1042 = arith.constant 224 : i32
    %add3A_1043 = arith.addi %mul3A_2, %add3A_1042 : i32
    %dma_start3A_1044 = arith.constant 0 : i32
    %dma_start3A_1045 = arith.constant 0 : i32
    %dma_start3A_1046 = arith.constant 0 : i32
    %dma_start3A_1047 = arith.constant 0 : i32
    %dma_start3A_1048 = arith.constant 0 : i32
    %dma_start3A_1049 = tpu.memref_slice %arg4[%dma_start3A_1044, %dma_start3A_1047, %dma_start3A_1048] : memref<7x16x1024xf32, #tpu.memory_space<vmem>> -> memref<1x16x1024xf32, #tpu.memory_space<vmem>>
    %dma_start3A_1050 = tpu.memref_squeeze %dma_start3A_1049 : memref<1x16x1024xf32, #tpu.memory_space<vmem>> -> memref<16x1024xf32, #tpu.memory_space<vmem>>
    %dma_start3A_1051 = arith.constant 0 : i32
    %dma_start3A_1052 = tpu.memref_slice %arg3[%dma_start3A_1045, %add3A_1043, %dma_start3A_1051] : memref<1x8192x1024xf32, #tpu.memory_space<hbm>> -> memref<1x16x1024xf32, #tpu.memory_space<hbm>>
    %dma_start3A_1053 = tpu.memref_squeeze %dma_start3A_1052 : memref<1x16x1024xf32, #tpu.memory_space<hbm>> -> memref<16x1024xf32, #tpu.memory_space<hbm>>
    %dma_start3A_1054 = tpu.memref_slice %arg6[%dma_start3A_1046] : memref<7x!tpu.dma_semaphore, #tpu.memory_space<semaphore_mem>> -> memref<1x!tpu.dma_semaphore, #tpu.memory_space<semaphore_mem>>
    %dma_start3A_1055 = tpu.memref_squeeze %dma_start3A_1054 : memref<1x!tpu.dma_semaphore, #tpu.memory_space<semaphore_mem>> -> memref<!tpu.dma_semaphore, #tpu.memory_space<semaphore_mem>>
    %dma_start3A_1056 = arith.constant 0 : i32
    %dma_start3A_1057 = tpu.memref_slice %arg3[%dma_start3A_1045, %add3A_1043, %dma_start3A_1056] : memref<1x8192x1024xf32, #tpu.memory_space<hbm>> -> memref<1x16x1024xf32, #tpu.memory_space<hbm>>
    %dma_start3A_1058 = tpu.memref_squeeze %dma_start3A_1057 : memref<1x16x1024xf32, #tpu.memory_space<hbm>> -> memref<16x1024xf32, #tpu.memory_space<hbm>>
    %dma_start3A_1059 = arith.constant 0 : i32
    %dma_start3A_1060 = arith.constant 0 : i32
    %dma_start3A_1061 = tpu.memref_slice %arg4[%dma_start3A_1044, %dma_start3A_1059, %dma_start3A_1060] : memref<7x16x1024xf32, #tpu.memory_space<vmem>> -> memref<1x16x1024xf32, #tpu.memory_space<vmem>>
    %dma_start3A_1062 = tpu.memref_squeeze %dma_start3A_1061 : memref<1x16x1024xf32, #tpu.memory_space<vmem>> -> memref<16x1024xf32, #tpu.memory_space<vmem>>
    tpu.enqueue_dma source(%dma_start3A_1062 : memref<16x1024xf32, #tpu.memory_space<vmem>>) target(%dma_start3A_1058 : memref<16x1024xf32, #tpu.memory_space<hbm>>) target_semaphore(%dma_start3A_1055 : memref<!tpu.dma_semaphore, #tpu.memory_space<semaphore_mem>>)
    %add3A_1063 = arith.constant 240 : i32
    %add3A_1064 = arith.addi %mul3A_2, %add3A_1063 : i32
    %dma_wait3A_1065 = arith.constant 1 : i32
    %dma_wait3A_1066 = arith.constant 1 : i32
    %dma_wait3A_1067 = arith.constant 0 : i32
    %dma_wait3A_1068 = arith.constant 0 : i32
    %dma_wait3A_1069 = tpu.memref_slice %arg4[%dma_wait3A_1065, %dma_wait3A_1067, %dma_wait3A_1068] : memref<7x16x1024xf32, #tpu.memory_space<vmem>> -> memref<1x16x1024xf32, #tpu.memory_space<vmem>>
    %dma_wait3A_1070 = tpu.memref_squeeze %dma_wait3A_1069 : memref<1x16x1024xf32, #tpu.memory_space<vmem>> -> memref<16x1024xf32, #tpu.memory_space<vmem>>
    %dma_wait3A_1071 = arith.constant 0 : i32
    %dma_wait3A_1072 = tpu.memref_slice %arg2[%add3A_1064, %dma_wait3A_1071] : memref<8192x1024xf32, #tpu.memory_space<hbm>> -> memref<16x1024xf32, #tpu.memory_space<hbm>>
    %dma_wait3A_1073 = tpu.memref_slice %arg5[%dma_wait3A_1066] : memref<7x!tpu.dma_semaphore, #tpu.memory_space<semaphore_mem>> -> memref<1x!tpu.dma_semaphore, #tpu.memory_space<semaphore_mem>>
    %dma_wait3A_1074 = tpu.memref_squeeze %dma_wait3A_1073 : memref<1x!tpu.dma_semaphore, #tpu.memory_space<semaphore_mem>> -> memref<!tpu.dma_semaphore, #tpu.memory_space<semaphore_mem>>
    %dma_wait3A_1075 = arith.constant 0 : i32
    %dma_wait3A_1076 = arith.constant 0 : i32
    %dma_wait3A_1077 = tpu.memref_slice %arg4[%dma_wait3A_1065, %dma_wait3A_1075, %dma_wait3A_1076] : memref<7x16x1024xf32, #tpu.memory_space<vmem>> -> memref<1x16x1024xf32, #tpu.memory_space<vmem>>
    %dma_wait3A_1078 = tpu.memref_squeeze %dma_wait3A_1077 : memref<1x16x1024xf32, #tpu.memory_space<vmem>> -> memref<16x1024xf32, #tpu.memory_space<vmem>>
    %dma_wait3A_1079 = arith.constant 0 : i32
    %dma_wait3A_1080 = tpu.memref_slice %arg2[%add3A_1064, %dma_wait3A_1079] : memref<8192x1024xf32, #tpu.memory_space<hbm>> -> memref<16x1024xf32, #tpu.memory_space<hbm>>
    tpu.wait_dma2 semaphore(%dma_wait3A_1074 : memref<!tpu.dma_semaphore, #tpu.memory_space<semaphore_mem>>) src(%dma_wait3A_1080 : memref<16x1024xf32, #tpu.memory_space<hbm>>) dst(%dma_wait3A_1078 : memref<16x1024xf32, #tpu.memory_space<vmem>>)
    %add3A_1081 = arith.constant 240 : i32
    %add3A_1082 = arith.addi %mul3A_2, %add3A_1081 : i32
    %dma_start3A_1083 = arith.constant 1 : i32
    %dma_start3A_1084 = arith.constant 0 : i32
    %dma_start3A_1085 = arith.constant 1 : i32
    %dma_start3A_1086 = arith.constant 0 : i32
    %dma_start3A_1087 = arith.constant 0 : i32
    %dma_start3A_1088 = tpu.memref_slice %arg4[%dma_start3A_1083, %dma_start3A_1086, %dma_start3A_1087] : memref<7x16x1024xf32, #tpu.memory_space<vmem>> -> memref<1x16x1024xf32, #tpu.memory_space<vmem>>
    %dma_start3A_1089 = tpu.memref_squeeze %dma_start3A_1088 : memref<1x16x1024xf32, #tpu.memory_space<vmem>> -> memref<16x1024xf32, #tpu.memory_space<vmem>>
    %dma_start3A_1090 = arith.constant 0 : i32
    %dma_start3A_1091 = tpu.memref_slice %arg3[%dma_start3A_1084, %add3A_1082, %dma_start3A_1090] : memref<1x8192x1024xf32, #tpu.memory_space<hbm>> -> memref<1x16x1024xf32, #tpu.memory_space<hbm>>
    %dma_start3A_1092 = tpu.memref_squeeze %dma_start3A_1091 : memref<1x16x1024xf32, #tpu.memory_space<hbm>> -> memref<16x1024xf32, #tpu.memory_space<hbm>>
    %dma_start3A_1093 = tpu.memref_slice %arg6[%dma_start3A_1085] : memref<7x!tpu.dma_semaphore, #tpu.memory_space<semaphore_mem>> -> memref<1x!tpu.dma_semaphore, #tpu.memory_space<semaphore_mem>>
    %dma_start3A_1094 = tpu.memref_squeeze %dma_start3A_1093 : memref<1x!tpu.dma_semaphore, #tpu.memory_space<semaphore_mem>> -> memref<!tpu.dma_semaphore, #tpu.memory_space<semaphore_mem>>
    %dma_start3A_1095 = arith.constant 0 : i32
    %dma_start3A_1096 = tpu.memref_slice %arg3[%dma_start3A_1084, %add3A_1082, %dma_start3A_1095] : memref<1x8192x1024xf32, #tpu.memory_space<hbm>> -> memref<1x16x1024xf32, #tpu.memory_space<hbm>>
    %dma_start3A_1097 = tpu.memref_squeeze %dma_start3A_1096 : memref<1x16x1024xf32, #tpu.memory_space<hbm>> -> memref<16x1024xf32, #tpu.memory_space<hbm>>
    %dma_start3A_1098 = arith.constant 0 : i32
    %dma_start3A_1099 = arith.constant 0 : i32
    %dma_start3A_1100 = tpu.memref_slice %arg4[%dma_start3A_1083, %dma_start3A_1098, %dma_start3A_1099] : memref<7x16x1024xf32, #tpu.memory_space<vmem>> -> memref<1x16x1024xf32, #tpu.memory_space<vmem>>
    %dma_start3A_1101 = tpu.memref_squeeze %dma_start3A_1100 : memref<1x16x1024xf32, #tpu.memory_space<vmem>> -> memref<16x1024xf32, #tpu.memory_space<vmem>>
    tpu.enqueue_dma source(%dma_start3A_1101 : memref<16x1024xf32, #tpu.memory_space<vmem>>) target(%dma_start3A_1097 : memref<16x1024xf32, #tpu.memory_space<hbm>>) target_semaphore(%dma_start3A_1094 : memref<!tpu.dma_semaphore, #tpu.memory_space<semaphore_mem>>)
    %add3A_1102 = arith.constant 144 : i32
    %add3A_1103 = arith.addi %mul3A_2, %add3A_1102 : i32
    %dma_wait3A_1104 = arith.constant 2 : i32
    %dma_wait3A_1105 = arith.constant 0 : i32
    %dma_wait3A_1106 = arith.constant 2 : i32
    %dma_wait3A_1107 = arith.constant 0 : i32
    %dma_wait3A_1108 = arith.constant 0 : i32
    %dma_wait3A_1109 = tpu.memref_slice %arg4[%dma_wait3A_1104, %dma_wait3A_1107, %dma_wait3A_1108] : memref<7x16x1024xf32, #tpu.memory_space<vmem>> -> memref<1x16x1024xf32, #tpu.memory_space<vmem>>
    %dma_wait3A_1110 = tpu.memref_squeeze %dma_wait3A_1109 : memref<1x16x1024xf32, #tpu.memory_space<vmem>> -> memref<16x1024xf32, #tpu.memory_space<vmem>>
    %dma_wait3A_1111 = arith.constant 0 : i32
    %dma_wait3A_1112 = tpu.memref_slice %arg3[%dma_wait3A_1105, %add3A_1103, %dma_wait3A_1111] : memref<1x8192x1024xf32, #tpu.memory_space<hbm>> -> memref<1x16x1024xf32, #tpu.memory_space<hbm>>
    %dma_wait3A_1113 = tpu.memref_squeeze %dma_wait3A_1112 : memref<1x16x1024xf32, #tpu.memory_space<hbm>> -> memref<16x1024xf32, #tpu.memory_space<hbm>>
    %dma_wait3A_1114 = tpu.memref_slice %arg6[%dma_wait3A_1106] : memref<7x!tpu.dma_semaphore, #tpu.memory_space<semaphore_mem>> -> memref<1x!tpu.dma_semaphore, #tpu.memory_space<semaphore_mem>>
    %dma_wait3A_1115 = tpu.memref_squeeze %dma_wait3A_1114 : memref<1x!tpu.dma_semaphore, #tpu.memory_space<semaphore_mem>> -> memref<!tpu.dma_semaphore, #tpu.memory_space<semaphore_mem>>
    %dma_wait3A_1116 = arith.constant 0 : i32
    %dma_wait3A_1117 = tpu.memref_slice %arg3[%dma_wait3A_1105, %add3A_1103, %dma_wait3A_1116] : memref<1x8192x1024xf32, #tpu.memory_space<hbm>> -> memref<1x16x1024xf32, #tpu.memory_space<hbm>>
    %dma_wait3A_1118 = tpu.memref_squeeze %dma_wait3A_1117 : memref<1x16x1024xf32, #tpu.memory_space<hbm>> -> memref<16x1024xf32, #tpu.memory_space<hbm>>
    %dma_wait3A_1119 = arith.constant 0 : i32
    %dma_wait3A_1120 = arith.constant 0 : i32
    %dma_wait3A_1121 = tpu.memref_slice %arg4[%dma_wait3A_1104, %dma_wait3A_1119, %dma_wait3A_1120] : memref<7x16x1024xf32, #tpu.memory_space<vmem>> -> memref<1x16x1024xf32, #tpu.memory_space<vmem>>
    %dma_wait3A_1122 = tpu.memref_squeeze %dma_wait3A_1121 : memref<1x16x1024xf32, #tpu.memory_space<vmem>> -> memref<16x1024xf32, #tpu.memory_space<vmem>>
    tpu.wait_dma2 semaphore(%dma_wait3A_1115 : memref<!tpu.dma_semaphore, #tpu.memory_space<semaphore_mem>>) src(%dma_wait3A_1122 : memref<16x1024xf32, #tpu.memory_space<vmem>>) dst(%dma_wait3A_1118 : memref<16x1024xf32, #tpu.memory_space<hbm>>)
    %add3A_1123 = arith.constant 160 : i32
    %add3A_1124 = arith.addi %mul3A_2, %add3A_1123 : i32
    %dma_wait3A_1125 = arith.constant 3 : i32
    %dma_wait3A_1126 = arith.constant 0 : i32
    %dma_wait3A_1127 = arith.constant 3 : i32
    %dma_wait3A_1128 = arith.constant 0 : i32
    %dma_wait3A_1129 = arith.constant 0 : i32
    %dma_wait3A_1130 = tpu.memref_slice %arg4[%dma_wait3A_1125, %dma_wait3A_1128, %dma_wait3A_1129] : memref<7x16x1024xf32, #tpu.memory_space<vmem>> -> memref<1x16x1024xf32, #tpu.memory_space<vmem>>
    %dma_wait3A_1131 = tpu.memref_squeeze %dma_wait3A_1130 : memref<1x16x1024xf32, #tpu.memory_space<vmem>> -> memref<16x1024xf32, #tpu.memory_space<vmem>>
    %dma_wait3A_1132 = arith.constant 0 : i32
    %dma_wait3A_1133 = tpu.memref_slice %arg3[%dma_wait3A_1126, %add3A_1124, %dma_wait3A_1132] : memref<1x8192x1024xf32, #tpu.memory_space<hbm>> -> memref<1x16x1024xf32, #tpu.memory_space<hbm>>
    %dma_wait3A_1134 = tpu.memref_squeeze %dma_wait3A_1133 : memref<1x16x1024xf32, #tpu.memory_space<hbm>> -> memref<16x1024xf32, #tpu.memory_space<hbm>>
    %dma_wait3A_1135 = tpu.memref_slice %arg6[%dma_wait3A_1127] : memref<7x!tpu.dma_semaphore, #tpu.memory_space<semaphore_mem>> -> memref<1x!tpu.dma_semaphore, #tpu.memory_space<semaphore_mem>>
    %dma_wait3A_1136 = tpu.memref_squeeze %dma_wait3A_1135 : memref<1x!tpu.dma_semaphore, #tpu.memory_space<semaphore_mem>> -> memref<!tpu.dma_semaphore, #tpu.memory_space<semaphore_mem>>
    %dma_wait3A_1137 = arith.constant 0 : i32
    %dma_wait3A_1138 = tpu.memref_slice %arg3[%dma_wait3A_1126, %add3A_1124, %dma_wait3A_1137] : memref<1x8192x1024xf32, #tpu.memory_space<hbm>> -> memref<1x16x1024xf32, #tpu.memory_space<hbm>>
    %dma_wait3A_1139 = tpu.memref_squeeze %dma_wait3A_1138 : memref<1x16x1024xf32, #tpu.memory_space<hbm>> -> memref<16x1024xf32, #tpu.memory_space<hbm>>
    %dma_wait3A_1140 = arith.constant 0 : i32
    %dma_wait3A_1141 = arith.constant 0 : i32
    %dma_wait3A_1142 = tpu.memref_slice %arg4[%dma_wait3A_1125, %dma_wait3A_1140, %dma_wait3A_1141] : memref<7x16x1024xf32, #tpu.memory_space<vmem>> -> memref<1x16x1024xf32, #tpu.memory_space<vmem>>
    %dma_wait3A_1143 = tpu.memref_squeeze %dma_wait3A_1142 : memref<1x16x1024xf32, #tpu.memory_space<vmem>> -> memref<16x1024xf32, #tpu.memory_space<vmem>>
    tpu.wait_dma2 semaphore(%dma_wait3A_1136 : memref<!tpu.dma_semaphore, #tpu.memory_space<semaphore_mem>>) src(%dma_wait3A_1143 : memref<16x1024xf32, #tpu.memory_space<vmem>>) dst(%dma_wait3A_1139 : memref<16x1024xf32, #tpu.memory_space<hbm>>)
    %add3A_1144 = arith.constant 176 : i32
    %add3A_1145 = arith.addi %mul3A_2, %add3A_1144 : i32
    %dma_wait3A_1146 = arith.constant 4 : i32
    %dma_wait3A_1147 = arith.constant 0 : i32
    %dma_wait3A_1148 = arith.constant 4 : i32
    %dma_wait3A_1149 = arith.constant 0 : i32
    %dma_wait3A_1150 = arith.constant 0 : i32
    %dma_wait3A_1151 = tpu.memref_slice %arg4[%dma_wait3A_1146, %dma_wait3A_1149, %dma_wait3A_1150] : memref<7x16x1024xf32, #tpu.memory_space<vmem>> -> memref<1x16x1024xf32, #tpu.memory_space<vmem>>
    %dma_wait3A_1152 = tpu.memref_squeeze %dma_wait3A_1151 : memref<1x16x1024xf32, #tpu.memory_space<vmem>> -> memref<16x1024xf32, #tpu.memory_space<vmem>>
    %dma_wait3A_1153 = arith.constant 0 : i32
    %dma_wait3A_1154 = tpu.memref_slice %arg3[%dma_wait3A_1147, %add3A_1145, %dma_wait3A_1153] : memref<1x8192x1024xf32, #tpu.memory_space<hbm>> -> memref<1x16x1024xf32, #tpu.memory_space<hbm>>
    %dma_wait3A_1155 = tpu.memref_squeeze %dma_wait3A_1154 : memref<1x16x1024xf32, #tpu.memory_space<hbm>> -> memref<16x1024xf32, #tpu.memory_space<hbm>>
    %dma_wait3A_1156 = tpu.memref_slice %arg6[%dma_wait3A_1148] : memref<7x!tpu.dma_semaphore, #tpu.memory_space<semaphore_mem>> -> memref<1x!tpu.dma_semaphore, #tpu.memory_space<semaphore_mem>>
    %dma_wait3A_1157 = tpu.memref_squeeze %dma_wait3A_1156 : memref<1x!tpu.dma_semaphore, #tpu.memory_space<semaphore_mem>> -> memref<!tpu.dma_semaphore, #tpu.memory_space<semaphore_mem>>
    %dma_wait3A_1158 = arith.constant 0 : i32
    %dma_wait3A_1159 = tpu.memref_slice %arg3[%dma_wait3A_1147, %add3A_1145, %dma_wait3A_1158] : memref<1x8192x1024xf32, #tpu.memory_space<hbm>> -> memref<1x16x1024xf32, #tpu.memory_space<hbm>>
    %dma_wait3A_1160 = tpu.memref_squeeze %dma_wait3A_1159 : memref<1x16x1024xf32, #tpu.memory_space<hbm>> -> memref<16x1024xf32, #tpu.memory_space<hbm>>
    %dma_wait3A_1161 = arith.constant 0 : i32
    %dma_wait3A_1162 = arith.constant 0 : i32
    %dma_wait3A_1163 = tpu.memref_slice %arg4[%dma_wait3A_1146, %dma_wait3A_1161, %dma_wait3A_1162] : memref<7x16x1024xf32, #tpu.memory_space<vmem>> -> memref<1x16x1024xf32, #tpu.memory_space<vmem>>
    %dma_wait3A_1164 = tpu.memref_squeeze %dma_wait3A_1163 : memref<1x16x1024xf32, #tpu.memory_space<vmem>> -> memref<16x1024xf32, #tpu.memory_space<vmem>>
    tpu.wait_dma2 semaphore(%dma_wait3A_1157 : memref<!tpu.dma_semaphore, #tpu.memory_space<semaphore_mem>>) src(%dma_wait3A_1164 : memref<16x1024xf32, #tpu.memory_space<vmem>>) dst(%dma_wait3A_1160 : memref<16x1024xf32, #tpu.memory_space<hbm>>)
    %add3A_1165 = arith.constant 192 : i32
    %add3A_1166 = arith.addi %mul3A_2, %add3A_1165 : i32
    %dma_wait3A_1167 = arith.constant 5 : i32
    %dma_wait3A_1168 = arith.constant 0 : i32
    %dma_wait3A_1169 = arith.constant 5 : i32
    %dma_wait3A_1170 = arith.constant 0 : i32
    %dma_wait3A_1171 = arith.constant 0 : i32
    %dma_wait3A_1172 = tpu.memref_slice %arg4[%dma_wait3A_1167, %dma_wait3A_1170, %dma_wait3A_1171] : memref<7x16x1024xf32, #tpu.memory_space<vmem>> -> memref<1x16x1024xf32, #tpu.memory_space<vmem>>
    %dma_wait3A_1173 = tpu.memref_squeeze %dma_wait3A_1172 : memref<1x16x1024xf32, #tpu.memory_space<vmem>> -> memref<16x1024xf32, #tpu.memory_space<vmem>>
    %dma_wait3A_1174 = arith.constant 0 : i32
    %dma_wait3A_1175 = tpu.memref_slice %arg3[%dma_wait3A_1168, %add3A_1166, %dma_wait3A_1174] : memref<1x8192x1024xf32, #tpu.memory_space<hbm>> -> memref<1x16x1024xf32, #tpu.memory_space<hbm>>
    %dma_wait3A_1176 = tpu.memref_squeeze %dma_wait3A_1175 : memref<1x16x1024xf32, #tpu.memory_space<hbm>> -> memref<16x1024xf32, #tpu.memory_space<hbm>>
    %dma_wait3A_1177 = tpu.memref_slice %arg6[%dma_wait3A_1169] : memref<7x!tpu.dma_semaphore, #tpu.memory_space<semaphore_mem>> -> memref<1x!tpu.dma_semaphore, #tpu.memory_space<semaphore_mem>>
    %dma_wait3A_1178 = tpu.memref_squeeze %dma_wait3A_1177 : memref<1x!tpu.dma_semaphore, #tpu.memory_space<semaphore_mem>> -> memref<!tpu.dma_semaphore, #tpu.memory_space<semaphore_mem>>
    %dma_wait3A_1179 = arith.constant 0 : i32
    %dma_wait3A_1180 = tpu.memref_slice %arg3[%dma_wait3A_1168, %add3A_1166, %dma_wait3A_1179] : memref<1x8192x1024xf32, #tpu.memory_space<hbm>> -> memref<1x16x1024xf32, #tpu.memory_space<hbm>>
    %dma_wait3A_1181 = tpu.memref_squeeze %dma_wait3A_1180 : memref<1x16x1024xf32, #tpu.memory_space<hbm>> -> memref<16x1024xf32, #tpu.memory_space<hbm>>
    %dma_wait3A_1182 = arith.constant 0 : i32
    %dma_wait3A_1183 = arith.constant 0 : i32
    %dma_wait3A_1184 = tpu.memref_slice %arg4[%dma_wait3A_1167, %dma_wait3A_1182, %dma_wait3A_1183] : memref<7x16x1024xf32, #tpu.memory_space<vmem>> -> memref<1x16x1024xf32, #tpu.memory_space<vmem>>
    %dma_wait3A_1185 = tpu.memref_squeeze %dma_wait3A_1184 : memref<1x16x1024xf32, #tpu.memory_space<vmem>> -> memref<16x1024xf32, #tpu.memory_space<vmem>>
    tpu.wait_dma2 semaphore(%dma_wait3A_1178 : memref<!tpu.dma_semaphore, #tpu.memory_space<semaphore_mem>>) src(%dma_wait3A_1185 : memref<16x1024xf32, #tpu.memory_space<vmem>>) dst(%dma_wait3A_1181 : memref<16x1024xf32, #tpu.memory_space<hbm>>)
    %add3A_1186 = arith.constant 208 : i32
    %add3A_1187 = arith.addi %mul3A_2, %add3A_1186 : i32
    %dma_wait3A_1188 = arith.constant 6 : i32
    %dma_wait3A_1189 = arith.constant 0 : i32
    %dma_wait3A_1190 = arith.constant 6 : i32
    %dma_wait3A_1191 = arith.constant 0 : i32
    %dma_wait3A_1192 = arith.constant 0 : i32
    %dma_wait3A_1193 = tpu.memref_slice %arg4[%dma_wait3A_1188, %dma_wait3A_1191, %dma_wait3A_1192] : memref<7x16x1024xf32, #tpu.memory_space<vmem>> -> memref<1x16x1024xf32, #tpu.memory_space<vmem>>
    %dma_wait3A_1194 = tpu.memref_squeeze %dma_wait3A_1193 : memref<1x16x1024xf32, #tpu.memory_space<vmem>> -> memref<16x1024xf32, #tpu.memory_space<vmem>>
    %dma_wait3A_1195 = arith.constant 0 : i32
    %dma_wait3A_1196 = tpu.memref_slice %arg3[%dma_wait3A_1189, %add3A_1187, %dma_wait3A_1195] : memref<1x8192x1024xf32, #tpu.memory_space<hbm>> -> memref<1x16x1024xf32, #tpu.memory_space<hbm>>
    %dma_wait3A_1197 = tpu.memref_squeeze %dma_wait3A_1196 : memref<1x16x1024xf32, #tpu.memory_space<hbm>> -> memref<16x1024xf32, #tpu.memory_space<hbm>>
    %dma_wait3A_1198 = tpu.memref_slice %arg6[%dma_wait3A_1190] : memref<7x!tpu.dma_semaphore, #tpu.memory_space<semaphore_mem>> -> memref<1x!tpu.dma_semaphore, #tpu.memory_space<semaphore_mem>>
    %dma_wait3A_1199 = tpu.memref_squeeze %dma_wait3A_1198 : memref<1x!tpu.dma_semaphore, #tpu.memory_space<semaphore_mem>> -> memref<!tpu.dma_semaphore, #tpu.memory_space<semaphore_mem>>
    %dma_wait3A_1200 = arith.constant 0 : i32
    %dma_wait3A_1201 = tpu.memref_slice %arg3[%dma_wait3A_1189, %add3A_1187, %dma_wait3A_1200] : memref<1x8192x1024xf32, #tpu.memory_space<hbm>> -> memref<1x16x1024xf32, #tpu.memory_space<hbm>>
    %dma_wait3A_1202 = tpu.memref_squeeze %dma_wait3A_1201 : memref<1x16x1024xf32, #tpu.memory_space<hbm>> -> memref<16x1024xf32, #tpu.memory_space<hbm>>
    %dma_wait3A_1203 = arith.constant 0 : i32
    %dma_wait3A_1204 = arith.constant 0 : i32
    %dma_wait3A_1205 = tpu.memref_slice %arg4[%dma_wait3A_1188, %dma_wait3A_1203, %dma_wait3A_1204] : memref<7x16x1024xf32, #tpu.memory_space<vmem>> -> memref<1x16x1024xf32, #tpu.memory_space<vmem>>
    %dma_wait3A_1206 = tpu.memref_squeeze %dma_wait3A_1205 : memref<1x16x1024xf32, #tpu.memory_space<vmem>> -> memref<16x1024xf32, #tpu.memory_space<vmem>>
    tpu.wait_dma2 semaphore(%dma_wait3A_1199 : memref<!tpu.dma_semaphore, #tpu.memory_space<semaphore_mem>>) src(%dma_wait3A_1206 : memref<16x1024xf32, #tpu.memory_space<vmem>>) dst(%dma_wait3A_1202 : memref<16x1024xf32, #tpu.memory_space<hbm>>)
    %add3A_1207 = arith.constant 224 : i32
    %add3A_1208 = arith.addi %mul3A_2, %add3A_1207 : i32
    %dma_wait3A_1209 = arith.constant 0 : i32
    %dma_wait3A_1210 = arith.constant 0 : i32
    %dma_wait3A_1211 = arith.constant 0 : i32
    %dma_wait3A_1212 = arith.constant 0 : i32
    %dma_wait3A_1213 = arith.constant 0 : i32
    %dma_wait3A_1214 = tpu.memref_slice %arg4[%dma_wait3A_1209, %dma_wait3A_1212, %dma_wait3A_1213] : memref<7x16x1024xf32, #tpu.memory_space<vmem>> -> memref<1x16x1024xf32, #tpu.memory_space<vmem>>
    %dma_wait3A_1215 = tpu.memref_squeeze %dma_wait3A_1214 : memref<1x16x1024xf32, #tpu.memory_space<vmem>> -> memref<16x1024xf32, #tpu.memory_space<vmem>>
    %dma_wait3A_1216 = arith.constant 0 : i32
    %dma_wait3A_1217 = tpu.memref_slice %arg3[%dma_wait3A_1210, %add3A_1208, %dma_wait3A_1216] : memref<1x8192x1024xf32, #tpu.memory_space<hbm>> -> memref<1x16x1024xf32, #tpu.memory_space<hbm>>
    %dma_wait3A_1218 = tpu.memref_squeeze %dma_wait3A_1217 : memref<1x16x1024xf32, #tpu.memory_space<hbm>> -> memref<16x1024xf32, #tpu.memory_space<hbm>>
    %dma_wait3A_1219 = tpu.memref_slice %arg6[%dma_wait3A_1211] : memref<7x!tpu.dma_semaphore, #tpu.memory_space<semaphore_mem>> -> memref<1x!tpu.dma_semaphore, #tpu.memory_space<semaphore_mem>>
    %dma_wait3A_1220 = tpu.memref_squeeze %dma_wait3A_1219 : memref<1x!tpu.dma_semaphore, #tpu.memory_space<semaphore_mem>> -> memref<!tpu.dma_semaphore, #tpu.memory_space<semaphore_mem>>
    %dma_wait3A_1221 = arith.constant 0 : i32
    %dma_wait3A_1222 = tpu.memref_slice %arg3[%dma_wait3A_1210, %add3A_1208, %dma_wait3A_1221] : memref<1x8192x1024xf32, #tpu.memory_space<hbm>> -> memref<1x16x1024xf32, #tpu.memory_space<hbm>>
    %dma_wait3A_1223 = tpu.memref_squeeze %dma_wait3A_1222 : memref<1x16x1024xf32, #tpu.memory_space<hbm>> -> memref<16x1024xf32, #tpu.memory_space<hbm>>
    %dma_wait3A_1224 = arith.constant 0 : i32
    %dma_wait3A_1225 = arith.constant 0 : i32
    %dma_wait3A_1226 = tpu.memref_slice %arg4[%dma_wait3A_1209, %dma_wait3A_1224, %dma_wait3A_1225] : memref<7x16x1024xf32, #tpu.memory_space<vmem>> -> memref<1x16x1024xf32, #tpu.memory_space<vmem>>
    %dma_wait3A_1227 = tpu.memref_squeeze %dma_wait3A_1226 : memref<1x16x1024xf32, #tpu.memory_space<vmem>> -> memref<16x1024xf32, #tpu.memory_space<vmem>>
    tpu.wait_dma2 semaphore(%dma_wait3A_1220 : memref<!tpu.dma_semaphore, #tpu.memory_space<semaphore_mem>>) src(%dma_wait3A_1227 : memref<16x1024xf32, #tpu.memory_space<vmem>>) dst(%dma_wait3A_1223 : memref<16x1024xf32, #tpu.memory_space<hbm>>)
    %add3A_1228 = arith.constant 240 : i32
    %add3A_1229 = arith.addi %mul3A_2, %add3A_1228 : i32
    %dma_wait3A_1230 = arith.constant 1 : i32
    %dma_wait3A_1231 = arith.constant 0 : i32
    %dma_wait3A_1232 = arith.constant 1 : i32
    %dma_wait3A_1233 = arith.constant 0 : i32
    %dma_wait3A_1234 = arith.constant 0 : i32
    %dma_wait3A_1235 = tpu.memref_slice %arg4[%dma_wait3A_1230, %dma_wait3A_1233, %dma_wait3A_1234] : memref<7x16x1024xf32, #tpu.memory_space<vmem>> -> memref<1x16x1024xf32, #tpu.memory_space<vmem>>
    %dma_wait3A_1236 = tpu.memref_squeeze %dma_wait3A_1235 : memref<1x16x1024xf32, #tpu.memory_space<vmem>> -> memref<16x1024xf32, #tpu.memory_space<vmem>>
    %dma_wait3A_1237 = arith.constant 0 : i32
    %dma_wait3A_1238 = tpu.memref_slice %arg3[%dma_wait3A_1231, %add3A_1229, %dma_wait3A_1237] : memref<1x8192x1024xf32, #tpu.memory_space<hbm>> -> memref<1x16x1024xf32, #tpu.memory_space<hbm>>
    %dma_wait3A_1239 = tpu.memref_squeeze %dma_wait3A_1238 : memref<1x16x1024xf32, #tpu.memory_space<hbm>> -> memref<16x1024xf32, #tpu.memory_space<hbm>>
    %dma_wait3A_1240 = tpu.memref_slice %arg6[%dma_wait3A_1232] : memref<7x!tpu.dma_semaphore, #tpu.memory_space<semaphore_mem>> -> memref<1x!tpu.dma_semaphore, #tpu.memory_space<semaphore_mem>>
    %dma_wait3A_1241 = tpu.memref_squeeze %dma_wait3A_1240 : memref<1x!tpu.dma_semaphore, #tpu.memory_space<semaphore_mem>> -> memref<!tpu.dma_semaphore, #tpu.memory_space<semaphore_mem>>
    %dma_wait3A_1242 = arith.constant 0 : i32
    %dma_wait3A_1243 = tpu.memref_slice %arg3[%dma_wait3A_1231, %add3A_1229, %dma_wait3A_1242] : memref<1x8192x1024xf32, #tpu.memory_space<hbm>> -> memref<1x16x1024xf32, #tpu.memory_space<hbm>>
    %dma_wait3A_1244 = tpu.memref_squeeze %dma_wait3A_1243 : memref<1x16x1024xf32, #tpu.memory_space<hbm>> -> memref<16x1024xf32, #tpu.memory_space<hbm>>
    %dma_wait3A_1245 = arith.constant 0 : i32
    %dma_wait3A_1246 = arith.constant 0 : i32
    %dma_wait3A_1247 = tpu.memref_slice %arg4[%dma_wait3A_1230, %dma_wait3A_1245, %dma_wait3A_1246] : memref<7x16x1024xf32, #tpu.memory_space<vmem>> -> memref<1x16x1024xf32, #tpu.memory_space<vmem>>
    %dma_wait3A_1248 = tpu.memref_squeeze %dma_wait3A_1247 : memref<1x16x1024xf32, #tpu.memory_space<vmem>> -> memref<16x1024xf32, #tpu.memory_space<vmem>>
    tpu.wait_dma2 semaphore(%dma_wait3A_1241 : memref<!tpu.dma_semaphore, #tpu.memory_space<semaphore_mem>>) src(%dma_wait3A_1248 : memref<16x1024xf32, #tpu.memory_space<vmem>>) dst(%dma_wait3A_1244 : memref<16x1024xf32, #tpu.memory_space<hbm>>)
    return
  }
}

</mosaic_0001>

<sc_bundles>
// kernel: _positional_copy.3.cloned.1.call-start
scs
__scs_entry_jumppad:
0x0: {  	(pc) =	sbr.rel $0x88, $3  }
0x1: {  	(tag) =	ssettag $0x0;
	lr =	simm.s32 $0x1  }
0x2: {  	[smem:$0x3FA0] =	sst lr;
	_ =	strace $0xD0000000  }
0x3: {  	_ = 	snop  }
0x4: {  	_ = 	snop  }
0x5: {  	_ = 	snop  }
0x6: {  	_ = 	snop  }
0x7: {  	_ = 	snop  }
__scs_overlays_trampoline_lowered:
0x8: {  	[smem:$0x3FAF] =	sst s0  }
0x9: {  	[smem:$0x3FB0] =	sst s1  }
0xa: {  	[smem:$0x3FB1] =	sst s2  }
0xb: {  	[smem:$0x3FB2] =	sst s3  }
0xc: {  	[smem:$0x3FB3] =	sst s4  }
0xd: {  	[smem:$0x3FB4] =	sst s5  }
0xe: {  	[smem:$0x3FB5] =	sst s6  }
0xf: {  	[smem:$0x3FB6] =	sst s7  }
0x10: {  	[smem:$0x3FB7] =	sst s8  }
0x11: {  	[smem:$0x3FB8] =	sst s9;
	s0 =	simm.s32 @!p0 $0x0  }
0x12: {  	s1 =	sld [smem:$0x3F9E];
	s0 =	simm.s32 @p0 $0x1  }
0x13: {  	[smem:$0x3FB9] =	sst s0;
	s0 =	simm.s32 @!p1 $0x0  }
0x14: {  	s2 =	sld [smem:$0x3F9D];
	s0 =	simm.s32 @p1 $0x1  }
0x15: {  	[smem:$0x3FBA] =	sst s0;
	s0 =	simm.s32 @!p2 $0x0  }
0x16: {  	s3 =	sld [smem:$0x3FDB];
	s0 =	simm.s32 @p2 $0x1  }
0x17: {  	s4 =	simm.s32 $0x1BF5;
	[smem:$0x3FBC] =	sst s0  }
0x18: {  	s0 =	sld [smem:$0x3F9F];
	_ =	swait.ge [sflag:s4], $0x0  }
0x19: {  	s7 =	sld [smem:$0x3FA0]  }
0x1a: {  	s8 =	sadd.s32 $0xFFFFE003, lr  }
0x1b: {  	s9 =	sadd.s32 $0xFFFFFEF7, lr;
	s5 =	simm.s32 $0xFFFFFFFF;
	p2 =	slt.u32 s8, $0xFFFFF086  }
0x1c: {  	p1 =	slt.u32 s9, $0xF7A;
	s5 =	simm.s32 @!p2 $0x0  }
0x1d: {  	s5 =	simm.s32 @p1 $0x1;
	p0 =	seq.s32 s7, s2  }
0x1e: {  	s7 =	smul.u32 @!p0 $0xF7A, s2;
	p2 =	seq.s32 @!p0 s5, $0x0  }
0x1f: {  	s9 =	smul.u32 $0xF7A, s1;
	s8 =	simm.s32 @!p0 $0x1BF5;
	p2 =	por !p2, p0  }
0x20: {  	[sflag:s8] =	ssyncset.s32 @!p0 $0xFFFFF086;
	s6 =	sadd.s32 @!p0 s3, s7;
	s7 =	simm.s32 @!p0 $0x108  }
0x21: {  	s3 =	sadd.s32 s3, s9;
	s6 =	sadd.s32 @!p0 $0x88, s6;
	s7 =	simm.s32 @p2 $0x1082  }
0x22: {  	[simem:s7], [sflag:s8] =	dma.local @!p0 [hbm:s6], $0xF7A  }
0x23: {  	s9 =	sor.u32 $0xD0000000, s2;
	s6 =	simm.s32 $0x108;
	_ =	swait.ge @!p0 [sflag:s8], $0x0  }
0x24: {  	s3 =	sadd.s32 $0x88, s3;
	s6 =	simm.s32 @!p1 $0x1082;
	[sflag:s4] =	ssyncset.s32 $0xFFFFF086  }
0x25: {  	[simem:s6], [sflag:s4] =	dma.local [hbm:s3], $0xF7A  }
0x26: {  	[smem:$0x3FA0] =	sst s1;
	(tag) =	ssettag s2;
	_ =	strace s9  }
0x27: {  	s1 =	sld [smem:$0x3FB0]  }
0x28: {  	s2 =	sld [smem:$0x3FB1]  }
0x29: {  	s4 =	sld [smem:$0x3FB3]  }
0x2a: {  	p0 =	seq.s32 s5, $0x0;
	s5 =	sld [smem:$0x3FB4]  }
0x2b: {  	s6 =	sld [smem:$0x3FB5]  }
0x2c: {  	s7 =	sld [smem:$0x3FB6]  }
0x2d: {  	s3 =	simm.s32 $0x108;
	s8 =	sld [smem:$0x3FB7]  }
0x2e: {  	s3 =	simm.s32 @!p0 $0x1082;
	s9 =	sld [smem:$0x3FB8]  }
0x2f: {  	lr =	sadd.s32 s0, s3;
	s0 =	sld [smem:$0x3FAF]  }
0x30: {  	s3 =	sld [smem:$0x3FB2]  }
0x31: {  	[smem:$0x3FBB] =	sst s10  }
0x32: {  	s10 =	sld [smem:$0x3FB9];
	_ =	sdelay $0x3  }
0x33: {  	p0 =	seq.s32 s10, $0x1;
	s10 =	sld [smem:$0x3FBB];
	_ =	sdelay $0x3  }
0x34: {  	[smem:$0x3FBB] =	sst s10  }
0x35: {  	s10 =	sld [smem:$0x3FBA];
	_ =	sdelay $0x3  }
0x36: {  	p1 =	seq.s32 s10, $0x1;
	s10 =	sld [smem:$0x3FBB];
	_ =	sdelay $0x3  }
0x37: {  	[smem:$0x3FBB] =	sst s10  }
0x38: {  	s10 =	sld [smem:$0x3FBC]  }
0x39: {  	_ = 	snop;
	(pc) =	sbr.ind lr, $3  }
0x3a: {  	_ = 	snop  }
0x3b: {  	_ = 	snop  }
0x3c: {  	p2 =	seq.s32 s10, $0x1;
	s10 =	sld [smem:$0x3FBB]  }
0x3d: {  	_ =	shalt  }
0x3e: {  	_ =	shalt  }
0x3f: {  	_ =	shalt  }
0x40: {  	_ =	shalt  }
0x41: {  	_ =	shalt  }
0x42: {  	_ =	shalt  }
0x43: {  	_ =	shalt  }
0x44: {  	_ =	shalt  }
0x45: {  	_ =	shalt  }
0x46: {  	_ =	shalt  }
0x47: {  	_ =	shalt  }
0x48: {  	_ =	shalt  }
0x49: {  	_ =	shalt  }
0x4a: {  	_ =	shalt  }
0x4b: {  	_ =	shalt  }
0x4c: {  	_ =	shalt  }
0x4d: {  	_ =	shalt  }
0x4e: {  	_ =	shalt  }
0x4f: {  	_ =	shalt  }
0x50: {  	_ =	shalt  }
0x51: {  	_ =	shalt  }
0x52: {  	_ =	shalt  }
0x53: {  	_ =	shalt  }
0x54: {  	_ =	shalt  }
0x55: {  	_ =	shalt  }
0x56: {  	_ =	shalt  }
0x57: {  	_ =	shalt  }
0x58: {  	_ =	shalt  }
0x59: {  	_ =	shalt  }
0x5a: {  	_ =	shalt  }
0x5b: {  	_ =	shalt  }
0x5c: {  	_ =	shalt  }
0x5d: {  	_ =	shalt  }
0x5e: {  	_ =	shalt  }
0x5f: {  	_ =	shalt  }
0x60: {  	_ =	shalt  }
0x61: {  	_ =	shalt  }
0x62: {  	_ =	shalt  }
0x63: {  	_ =	shalt  }
0x64: {  	_ =	shalt  }
0x65: {  	_ =	shalt  }
0x66: {  	_ =	shalt  }
0x67: {  	_ =	shalt  }
0x68: {  	_ =	shalt  }
0x69: {  	_ =	shalt  }
0x6a: {  	_ =	shalt  }
0x6b: {  	_ =	shalt  }
0x6c: {  	_ =	shalt  }
0x6d: {  	_ =	shalt  }
0x6e: {  	_ =	shalt  }
0x6f: {  	_ =	shalt  }
0x70: {  	_ =	shalt  }
0x71: {  	_ =	shalt  }
0x72: {  	_ =	shalt  }
0x73: {  	_ =	shalt  }
0x74: {  	_ =	shalt  }
0x75: {  	_ =	shalt  }
0x76: {  	_ =	shalt  }
0x77: {  	_ =	shalt  }
0x78: {  	_ =	shalt  }
0x79: {  	_ =	shalt  }
0x7a: {  	_ =	shalt  }
0x7b: {  	_ =	shalt  }
0x7c: {  	_ =	shalt  }
0x7d: {  	_ =	shalt  }
0x7e: {  	_ =	shalt  }
0x7f: {  	_ =	shalt  }
0x80: {  	_ =	shalt  }
0x81: {  	_ =	shalt  }
0x82: {  	_ =	shalt  }
0x83: {  	_ =	shalt  }
0x84: {  	_ =	shalt  }
0x85: {  	_ =	shalt  }
0x86: {  	_ =	shalt  }
0x87: {  	_ =	shalt  }
.Lfunc_end0:
.L_simem_size_0:
called_computation_lowered:
.L_overlay_start_0:
0x88: {  	s2 =	sld [smem:$0x3FD9]  }
0x89: {  	s3 =	sld [smem:$0x3FFE];
	_ =	sdelay $0x1  }
0x8a: {  	s1 =	srdreg.scid  }
0x8b: {  	s0 =	sand.u32 $0x1, s1  }
0x8c: {  	s18 =	sshll.u32 s0, $0xA;
	s2 =	sadd.s32 s3, s2  }
0x8d: {  	s2 =	sadd.s32 s2, s18  }
0x8e: {  	[smem:$0x3FC7] =	sst s2  }
0x8f: {  	_ = 	snop  }
0x90: {  	s2 =	sld [smem:$0x3FC9]  }
0x91: {  	s19 =	sld [smem:$0x3FD0];
	(tm) =	ssettm $0x1  }
0x92: {  	s4 =	sld [smem:$0x3FFB];
	_ =	sdelay $0x3  }
0x93: {  	_ =	strace s4  }
0x94: {  	s4 =	sld [smem:$0x3FFC];
	_ =	sdelay $0x3  }
0x95: {  	_ =	strace s4  }
0x96: {  	s4 =	sld [smem:$0x3FFD];
	_ =	sdelay $0x3  }
0x97: {  	_ =	strace s4  }
0x98: {  	_ =	strace $0x8FFFFFFF  }
0x99: {  	s20 =	sld [smem:$0x3FDB];
	_ =	sdelay $0x1  }
0x9a: {  	s5 =	simm.s32 $_scs_section_size  }
0x9b: {  	s6 =	simm.s32 $_size__tile_overlayer_lowered;
	s7 =	simm.s32 $_tile_overlayer_lowered  }
0x9c: {  	s23 =	simm.s32 $0x1BFF;
	s22 =	sshll.u32 s7, $0x1;
	s4 =	sadd.s32 s5, s20  }
0x9d: {  	s8 =	simm.s32 $0x0;
	s21 =	sshll.u32 s6, $0x1;
	s6 =	sadd.s32 s22, s4  }
0x9e: {  	[timem:s8], [sflag:s23] =	dma.local [hbm:s6], s21  }
0x9f: {  	_ =	swait.ge [sflag:s23], s21  }
0xa0: {  	s5 =	ssub.s32 $0x0, s21;
	[sflag:s23] =	ssyncset.done $0x0  }
0xa1: {  	[sflag:s23] =	ssyncadd.s32 s5;
	_ =	sdelay $0x1  }
0xa2: {  	s24 =	simm.s32 $0x1B8B  }
0xa3: {  	_ =	swait.ge [sflag:s24], $0x1  }
0xa4: {  	[sflag:s24] =	ssyncset.done $0x0  }
0xa5: {  	s25 =	simm.s32 $0x1B8E;
	[sflag:s24] =	ssyncadd.s32 $0xFFFFFFFF  }
0xa6: {  	s26 =	simm.s32 $execute0_lowered;
	[smem:$0x3FD2] =	sst s25  }
0xa7: {  	s5 =	sshll.u32 s26, $0x1;
	_ =	strace $0x80000046;
	[dreg:$0x1] =	wrdreg $0xFFFFFFFF  }
0xa8: {  	s28 =	simm.s32 $_size_execute0_lowered;
	s4 =	sadd.s32 s4, s5;
	[dreg:$0x0] =	wrdreg $0x0  }
0xa9: {  	s5 =	sshll.u32 s28, $0x1;
	[dreg:$0x2] =	wrdreg s4  }
0xaa: {  	[dreg:$0x3] =	wrdreg s5  }
0xab: {  	[dreg:$0x4] =	wrdreg $0xC0  }
0xac: {  	_ =	task [dreg:s8], $0x5FFFF  }
0xad: {  	[dreg:$0x1] =	wrdreg $0xFFFFFFFF  }
0xae: {  	[dreg:$0x0] =	wrdreg $0x60  }
0xaf: {  	[dreg:$0x2] =	wrdreg s2  }
0xb0: {  	[dreg:$0x3] =	wrdreg s19  }
0xb1: {  	[dreg:$0x4] =	wrdreg $0x9  }
0xb2: {  	_ =	task.clear_ibuf [dreg:s8], $0x5FFFF;
	_ =	strace $0x90000046  }
0xb3: {  	s29 =	simm.s32 $0x9;
	_ =	strace $0x80000048  }
0xb4: {  	_ =	swait.ge [sflag:s29], $0x1  }
0xb5: {  	[sflag:s29] =	ssyncadd.s32 $0xFFFFFFFF  }
0xb6: {  	_ =	strace $0x90000048  }
0xb7: {  	_ =	sfence  }
0xb8: {  	s30 =	sld [smem:$0x0];
	_ =	sdelay $0x2  }
0xb9: {  	s31 =	sshll.u32 s1, $0xD;
	s1 =	sshrl.u32 s1, $0x2  }
0xba: {  	s3 =	sand.u32 $0x4000, s31;
	s1 =	sadd.s32 s1, s30  }
0xbb: {  	s0 =	sor.u32 s3, s0;
	s1 =	sshll.u32 s1, $0x11  }
0xbc: {  	s0 =	sor.u32 s1, s0  }
0xbd: {  	s0 =	sadd.s32 $0x8F2B, s0  }
0xbe: {  	[sflag:s0] =	ssyncadd.remote.s32 $0x1  }
0xbf: {  	_ =	sfence.sel $0xFFFF  }
0xc0: {  	[dreg:$0x0] =	wrdreg $0xFFFFFFFF;
	(pc) =	sbr.abs _section_cstart, $3  }
0xc1: {  	[dreg:$0x1] =	wrdreg $0xFFFFFFFF  }
0xc2: {  	_ =	task.clear_ibuf [dreg:s8], $0x2FFFF;
	_ =	strace $0x9FFFFFFF  }
0xc3: {  	(tm) =	ssettm $0x7FFFFFFF  }
tec
execute0_lowered:
.L_overlay_start_1:
0x0: {  	(tag) =	ssettag $0x1  }
0x1: {  	s3 =	rddreg [dreg:$0x0]  }
0x2: {  	s0 =	rddreg [dreg:$0x1];
	s1 =	srdreg.scid  }
0x3: {  	s4 =	stileid.u32;
	s2 =	simm.s32 $0x0;
	s1 =	sand.u32 $0x1, s1  }
0x4: {  	s29 =	simm.s32 $0x8000;
	s4 =	sshll.u32 s4, $0x10;
	s5 =	sshll.u32 s1, $0xF  }
0x5: {  	s31 =	simm.s32 $0x3;
	[smem:$0x7FF] =	sst s2;
	s4 =	sor.u32 s5, s4  }
0x6: {  	s30 =	simm.s32 $0x4;
	_ =	strace $0x80000047;
	s5 =	sadd.s32 s3, s4  }
0x7: {  	s6 =	sor.u32 $0x800, s4;
	s16 =	sadd.s32 s0, s4;
	[dreg:$0x3] =	wrdreg s5  }
0x8: {  	s7 =	sor.u32 $0x1000, s4;
	s10 =	sadd.s32 s3, s6;
	[dreg:$0xa] =	wrdreg s16  }
0x9: {  	s8 =	sor.u32 $0x1800, s4;
	s11 =	sadd.s32 s3, s7;
	[dreg:$0x4] =	wrdreg s10  }
0xa: {  	s9 =	sor.u32 $0x2000, s4;
	s12 =	sadd.s32 s3, s8;
	[dreg:$0x5] =	wrdreg s11  }
0xb: {  	s28 =	simm.s32 $0x5;
	s13 =	sadd.s32 s3, s9;
	[dreg:$0x6] =	wrdreg s12  }
0xc: {  	p0 =	por $0x0, $0x0;
	s17 =	sadd.s32 s0, s6;
	[dreg:$0x7] =	wrdreg s13  }
0xd: {  	s1 =	ssub.s32 $0x2, s1;
	s18 =	sadd.s32 s0, s7;
	[dreg:$0xb] =	wrdreg s17  }
0xe: {  	s20 =	sor.u32 $0x3800, s4;
	s19 =	sadd.s32 s0, s8;
	[dreg:$0xc] =	wrdreg s18  }
0xf: {  	s23 =	sor.u32 $0x4000, s4;
	s21 =	sadd.s32 s3, s20;
	[dreg:$0xd] =	wrdreg s19  }
0x10: {  	s26 =	sor.u32 $0x4800, s4;
	s22 =	sadd.s32 s0, s9;
	[dreg:$0xe] =	wrdreg s21  }
0x11: {  	s24 =	sadd.s32 s3, s23;
	s9 =	sadd.s32 s3, s26;
	[dreg:$0xf] =	wrdreg s22  }
0x12: {  	s16 =	sadd.s32 s0, s23;
	s6 =	simm.s32 $0x4000;
	[dreg:$0x10] =	wrdreg s24  }
0x13: {  	s10 =	sor.u32 $0x2800, s4;
	s11 =	sor.u32 $0x3000, s4;
	[dreg:$0x12] =	wrdreg s9  }
0x14: {  	s13 =	sadd.s32 s0, s20;
	s17 =	sor.u32 $0x6000, s4;
	s18 =	sshrl.u32 s1, $0x1  }
0x15: {  	[dreg:$0x17] =	wrdreg s16;
	s20 =	sadd.s32 s0, s26;
	s21 =	sor.u32 $0x6800, s4  }
0x16: {  	s24 =	sor.u32 $0x7000, s4;
	s26 =	simm.s32 $0xC000;
	s14 =	sadd.s32 s3, s10  }
0x17: {  	s15 =	sadd.s32 s3, s11;
	s25 =	sadd.s32 s0, s10;
	s10 =	sadd.s32 s0, s11  }
0x18: {  	s11 =	sor.u32 $0x5000, s4;
	[dreg:$0x15] =	wrdreg s13;
	s19 =	sadd.s32 s3, s17  }
0x19: {  	s1 =	ssub.s32 s1, s18;
	[dreg:$0x19] =	wrdreg s20;
	s23 =	sadd.s32 s3, s21  }
0x1a: {  	s20 =	sadd.s32 s3, s24;
	s9 =	sadd.s32 s0, s17;
	[dreg:$0x8] =	wrdreg s14  }
0x1b: {  	s8 =	sadd.s32 s0, s21;
	s7 =	sadd.s32 s0, s24;
	[dreg:$0x9] =	wrdreg s15  }
0x1c: {  	s21 =	simm.s32 $0x14000;
	s17 =	simm.s32 $0x18000;
	[dreg:$0x11] =	wrdreg s25  }
0x1d: {  	s24 =	simm.s32 $0x6;
	s18 =	simm.s32 $0xB;
	[dreg:$0x13] =	wrdreg s10  }
0x1e: {  	s12 =	sadd.s32 s3, s11;
	s14 =	sor.u32 $0x5800, s4;
	[dreg:$0x18] =	wrdreg s19  }
0x1f: {  	[dreg:$0x1a] =	wrdreg s23;
	s22 =	sadd.s32 s0, s11;
	s4 =	sor.u32 $0x7800, s4  }
0x20: {  	s25 =	smax.u32 s1, $0x1;
	s23 =	simm.s32 $0x10000;
	s11 =	simm.s32 $0x2  }
0x21: {  	s19 =	simm.s32 $0xA;
	s1 =	rddreg [dreg:$0x3];
	p1 =	sne.s32 s25, $0x1  }
.Ltmp0:
0x22: {  	s10 =	simm.s32 $0xE;
	[dreg:$0x14] =	wrdreg s12;
	(pc) =	sbr.rel @!p1 .LBB2_3-.Ltmp0, $4  }
0x23: {  	s15 =	sadd.s32 s3, s14;
	s16 =	sadd.s32 s0, s14;
	s13 =	sadd.s32 s3, s4  }
0x24: {  	s5 =	sadd.s32 s0, s4;
	s14 =	simm.s32 $0x1;
	s4 =	simm.s32 $0x8  }
0x25: {  	s3 =	simm.s32 $0x9;
	s0 =	sadd.s32 $0xFFFFFFFF, s25;
	s25 =	simm.s32 $0x7  }
0x26: {  	s12 =	simm.s32 $0xD;
	[dreg:$0x16] =	wrdreg s15;
	s15 =	simm.s32 $0xC  }
0x27: {  	[dreg:$0x1b] =	wrdreg s0  }
0x28: {  	[tilespmem:s2], [sflag:$0x1] =	stream.linear.gather [hbm4b:s1+s2], $0x4000, $0x38;
	[tilespmem:$0x1C000] =	vst v63  }
0x29: {  	s0 =	rddreg [dreg:$0x4]  }
0x2a: {  	[tilespmem:s6], [sflag:$0x2] =	stream.linear.gather [hbm4b:s0+s2], $0x4000, $0x38;
	[tilespmem:$0x1C000] =	vst v63  }
0x2b: {  	s1 =	rddreg [dreg:$0x5]  }
0x2c: {  	[tilespmem:s29], [sflag:$0x3] =	stream.linear.gather [hbm4b:s1+s2], $0x4000, $0x38;
	[tilespmem:$0x1C000] =	vst v63  }
0x2d: {  	s0 =	rddreg [dreg:$0x6]  }
0x2e: {  	[tilespmem:s26], [sflag:$0x4] =	stream.linear.gather [hbm4b:s0+s2], $0x4000, $0x38;
	[tilespmem:$0x1C000] =	vst v63  }
0x2f: {  	s1 =	rddreg [dreg:$0x7]  }
0x30: {  	[tilespmem:s23], [sflag:$0x5] =	stream.linear.gather [hbm4b:s1+s2], $0x4000, $0x38;
	[tilespmem:$0x1C000] =	vst v63  }
0x31: {  	s0 =	rddreg [dreg:$0x8]  }
0x32: {  	[tilespmem:s21], [sflag:$0x6] =	stream.linear.gather [hbm4b:s0+s2], $0x4000, $0x38;
	[tilespmem:$0x1C000] =	vst v63  }
0x33: {  	s1 =	rddreg [dreg:$0x9]  }
0x34: {  	[tilespmem:s17], [sflag:$0x7] =	stream.linear.gather [hbm4b:s1+s2], $0x4000, $0x38;
	[tilespmem:$0x1C000] =	vst v63  }
0x35: {  	_ =	swait.ge [sflag:s14], $0x4000  }
0x36: {  	[sflag:s14] =	ssyncset.done $0x0  }
0x37: {  	s1 =	rddreg [dreg:$0xa];
	[sflag:s14] =	ssyncadd.s32 $0xFFFFC000  }
0x38: {  	[hbm4b:s1+s2] =	stream.linear.scatter [tilespmem:s2], [sflag:$0x8], $0x4000, $0x38;
	[tilespmem:$0x1C000] =	vst v63  }
0x39: {  	_ =	swait.ge [sflag:s11], $0x4000  }
0x3a: {  	[sflag:s11] =	ssyncset.done $0x0  }
0x3b: {  	s1 =	rddreg [dreg:$0xb];
	[sflag:s11] =	ssyncadd.s32 $0xFFFFC000  }
0x3c: {  	[hbm4b:s1+s2] =	stream.linear.scatter [tilespmem:s6], [sflag:$0x9], $0x4000, $0x38;
	[tilespmem:$0x1C000] =	vst v63  }
0x3d: {  	_ =	swait.ge [sflag:s31], $0x4000  }
0x3e: {  	[sflag:s31] =	ssyncset.done $0x0  }
0x3f: {  	s1 =	rddreg [dreg:$0xc];
	[sflag:s31] =	ssyncadd.s32 $0xFFFFC000  }
0x40: {  	[hbm4b:s1+s2] =	stream.linear.scatter [tilespmem:s29], [sflag:$0xA], $0x4000, $0x38;
	[tilespmem:$0x1C000] =	vst v63  }
0x41: {  	_ =	swait.ge [sflag:s30], $0x4000  }
0x42: {  	[sflag:s30] =	ssyncset.done $0x0  }
0x43: {  	s1 =	rddreg [dreg:$0xd];
	[sflag:s30] =	ssyncadd.s32 $0xFFFFC000  }
0x44: {  	[hbm4b:s1+s2] =	stream.linear.scatter [tilespmem:s26], [sflag:$0xB], $0x4000, $0x38;
	[tilespmem:$0x1C000] =	vst v63  }
0x45: {  	_ =	swait.ge [sflag:s4], $0x4000  }
0x46: {  	[sflag:s4] =	ssyncset.done $0x0  }
0x47: {  	s1 =	rddreg [dreg:$0xe];
	[sflag:s4] =	ssyncadd.s32 $0xFFFFC000  }
0x48: {  	[tilespmem:s2], [sflag:$0x1] =	stream.linear.gather [hbm4b:s1+s2], $0x4000, $0x38;
	[tilespmem:$0x1C000] =	vst v63  }
0x49: {  	_ =	swait.ge [sflag:s28], $0x4000  }
0x4a: {  	[sflag:s28] =	ssyncset.done $0x0  }
0x4b: {  	s1 =	rddreg [dreg:$0xf];
	[sflag:s28] =	ssyncadd.s32 $0xFFFFC000  }
0x4c: {  	[hbm4b:s1+s2] =	stream.linear.scatter [tilespmem:s23], [sflag:$0xC], $0x4000, $0x38;
	[tilespmem:$0x1C000] =	vst v63  }
0x4d: {  	_ =	swait.ge [sflag:s3], $0x4000  }
0x4e: {  	[sflag:s3] =	ssyncset.done $0x0  }
0x4f: {  	s1 =	rddreg [dreg:$0x10];
	[sflag:s3] =	ssyncadd.s32 $0xFFFFC000  }
0x50: {  	[tilespmem:s6], [sflag:$0x2] =	stream.linear.gather [hbm4b:s1+s2], $0x4000, $0x38;
	[tilespmem:$0x1C000] =	vst v63  }
0x51: {  	_ =	swait.ge [sflag:s24], $0x4000  }
0x52: {  	[sflag:s24] =	ssyncset.done $0x0  }
0x53: {  	s1 =	rddreg [dreg:$0x11];
	[sflag:s24] =	ssyncadd.s32 $0xFFFFC000  }
0x54: {  	[hbm4b:s1+s2] =	stream.linear.scatter [tilespmem:s21], [sflag:$0xD], $0x4000, $0x38;
	[tilespmem:$0x1C000] =	vst v63  }
0x55: {  	_ =	swait.ge [sflag:s19], $0x4000  }
0x56: {  	[sflag:s19] =	ssyncset.done $0x0  }
0x57: {  	s1 =	rddreg [dreg:$0x12];
	[sflag:s19] =	ssyncadd.s32 $0xFFFFC000  }
0x58: {  	[tilespmem:s29], [sflag:$0x3] =	stream.linear.gather [hbm4b:s1+s2], $0x4000, $0x38;
	[tilespmem:$0x1C000] =	vst v63  }
0x59: {  	_ =	swait.ge [sflag:s25], $0x4000  }
0x5a: {  	[sflag:s25] =	ssyncset.done $0x0  }
0x5b: {  	s1 =	rddreg [dreg:$0x13];
	[sflag:s25] =	ssyncadd.s32 $0xFFFFC000  }
0x5c: {  	[hbm4b:s1+s2] =	stream.linear.scatter [tilespmem:s17], [sflag:$0xE], $0x4000, $0x38;
	[tilespmem:$0x1C000] =	vst v63  }
0x5d: {  	_ =	swait.ge [sflag:s18], $0x4000  }
0x5e: {  	[sflag:s18] =	ssyncset.done $0x0  }
0x5f: {  	s1 =	rddreg [dreg:$0x14];
	[sflag:s18] =	ssyncadd.s32 $0xFFFFC000  }
0x60: {  	[tilespmem:s26], [sflag:$0x4] =	stream.linear.gather [hbm4b:s1+s2], $0x4000, $0x38;
	[tilespmem:$0x1C000] =	vst v63  }
0x61: {  	_ =	swait.ge [sflag:s14], $0x4000  }
0x62: {  	[sflag:s14] =	ssyncset.done $0x0  }
0x63: {  	s1 =	rddreg [dreg:$0x15];
	[sflag:s14] =	ssyncadd.s32 $0xFFFFC000  }
0x64: {  	[hbm4b:s1+s2] =	stream.linear.scatter [tilespmem:s2], [sflag:$0x8], $0x4000, $0x38;
	[tilespmem:$0x1C000] =	vst v63  }
0x65: {  	_ =	swait.ge [sflag:s15], $0x4000  }
0x66: {  	[sflag:s15] =	ssyncset.done $0x0  }
0x67: {  	s1 =	rddreg [dreg:$0x16];
	[sflag:s15] =	ssyncadd.s32 $0xFFFFC000  }
0x68: {  	[tilespmem:s23], [sflag:$0x5] =	stream.linear.gather [hbm4b:s1+s2], $0x4000, $0x38;
	[tilespmem:$0x1C000] =	vst v63  }
0x69: {  	_ =	swait.ge [sflag:s11], $0x4000  }
0x6a: {  	[sflag:s11] =	ssyncset.done $0x0  }
0x6b: {  	s1 =	rddreg [dreg:$0x17];
	[sflag:s11] =	ssyncadd.s32 $0xFFFFC000  }
0x6c: {  	[hbm4b:s1+s2] =	stream.linear.scatter [tilespmem:s6], [sflag:$0x9], $0x4000, $0x38;
	[tilespmem:$0x1C000] =	vst v63  }
0x6d: {  	_ =	swait.ge [sflag:s12], $0x4000  }
0x6e: {  	[sflag:s12] =	ssyncset.done $0x0  }
0x6f: {  	s1 =	rddreg [dreg:$0x18];
	[sflag:s12] =	ssyncadd.s32 $0xFFFFC000  }
0x70: {  	[tilespmem:s21], [sflag:$0x6] =	stream.linear.gather [hbm4b:s1+s2], $0x4000, $0x38;
	[tilespmem:$0x1C000] =	vst v63  }
0x71: {  	_ =	swait.ge [sflag:s31], $0x4000  }
0x72: {  	[sflag:s31] =	ssyncset.done $0x0  }
0x73: {  	s1 =	rddreg [dreg:$0x19];
	[sflag:s31] =	ssyncadd.s32 $0xFFFFC000  }
0x74: {  	[hbm4b:s1+s2] =	stream.linear.scatter [tilespmem:s29], [sflag:$0xA], $0x4000, $0x38;
	[tilespmem:$0x1C000] =	vst v63  }
0x75: {  	_ =	swait.ge [sflag:s10], $0x4000  }
0x76: {  	[sflag:s10] =	ssyncset.done $0x0  }
0x77: {  	s1 =	rddreg [dreg:$0x1a];
	[sflag:s10] =	ssyncadd.s32 $0xFFFFC000  }
0x78: {  	[tilespmem:s17], [sflag:$0x7] =	stream.linear.gather [hbm4b:s1+s2], $0x4000, $0x38;
	[tilespmem:$0x1C000] =	vst v63  }
0x79: {  	_ =	swait.ge [sflag:s30], $0x4000  }
0x7a: {  	[sflag:s30] =	ssyncset.done $0x0  }
0x7b: {  	[sflag:s30] =	ssyncadd.s32 $0xFFFFC000  }
0x7c: {  	[hbm4b:s22+s2] =	stream.linear.scatter [tilespmem:s26], [sflag:$0xB], $0x4000, $0x38;
	[tilespmem:$0x1C000] =	vst v63  }
0x7d: {  	_ =	swait.ge [sflag:s4], $0x4000  }
0x7e: {  	[sflag:s4] =	ssyncset.done $0x0  }
0x7f: {  	[sflag:s4] =	ssyncadd.s32 $0xFFFFC000  }
0x80: {  	[tilespmem:s2], [sflag:$0x1] =	stream.linear.gather [hbm4b:s20+s2], $0x4000, $0x38;
	[tilespmem:$0x1C000] =	vst v63  }
0x81: {  	_ =	swait.ge [sflag:s28], $0x4000  }
0x82: {  	[sflag:s28] =	ssyncset.done $0x0  }
0x83: {  	[sflag:s28] =	ssyncadd.s32 $0xFFFFC000  }
0x84: {  	[hbm4b:s16+s2] =	stream.linear.scatter [tilespmem:s23], [sflag:$0xC], $0x4000, $0x38;
	[tilespmem:$0x1C000] =	vst v63  }
0x85: {  	_ =	swait.ge [sflag:s3], $0x4000  }
0x86: {  	[sflag:s3] =	ssyncset.done $0x0  }
0x87: {  	[sflag:s3] =	ssyncadd.s32 $0xFFFFC000  }
0x88: {  	[tilespmem:s6], [sflag:$0x2] =	stream.linear.gather [hbm4b:s13+s2], $0x4000, $0x38;
	[tilespmem:$0x1C000] =	vst v63  }
0x89: {  	_ =	swait.ge [sflag:s24], $0x4000  }
0x8a: {  	[sflag:s24] =	ssyncset.done $0x0  }
0x8b: {  	[sflag:s24] =	ssyncadd.s32 $0xFFFFC000  }
0x8c: {  	[hbm4b:s9+s2] =	stream.linear.scatter [tilespmem:s21], [sflag:$0xD], $0x4000, $0x38;
	[tilespmem:$0x1C000] =	vst v63  }
0x8d: {  	_ =	swait.ge [sflag:s25], $0x4000  }
0x8e: {  	[sflag:s25] =	ssyncset.done $0x0  }
0x8f: {  	[sflag:s25] =	ssyncadd.s32 $0xFFFFC000  }
0x90: {  	[hbm4b:s8+s2] =	stream.linear.scatter [tilespmem:s17], [sflag:$0xE], $0x4000, $0x38;
	[tilespmem:$0x1C000] =	vst v63  }
0x91: {  	_ =	swait.ge [sflag:s14], $0x4000  }
0x92: {  	[sflag:s14] =	ssyncset.done $0x0  }
0x93: {  	[sflag:s14] =	ssyncadd.s32 $0xFFFFC000  }
0x94: {  	[hbm4b:s7+s2] =	stream.linear.scatter [tilespmem:s2], [sflag:$0x8], $0x4000, $0x38;
	[tilespmem:$0x1C000] =	vst v63  }
0x95: {  	_ =	swait.ge [sflag:s11], $0x4000  }
0x96: {  	[sflag:s11] =	ssyncset.done $0x0  }
0x97: {  	[sflag:s11] =	ssyncadd.s32 $0xFFFFC000  }
0x98: {  	[hbm4b:s5+s2] =	stream.linear.scatter [tilespmem:s6], [sflag:$0x9], $0x4000, $0x38;
	[tilespmem:$0x1C000] =	vst v63  }
0x99: {  	_ =	swait.ge [sflag:s19], $0x4000  }
0x9a: {  	[sflag:s19] =	ssyncset.done $0x0  }
0x9b: {  	[sflag:s19] =	ssyncadd.s32 $0xFFFFC000  }
0x9c: {  	_ =	swait.ge [sflag:s18], $0x4000  }
0x9d: {  	[sflag:s18] =	ssyncset.done $0x0  }
0x9e: {  	[sflag:s18] =	ssyncadd.s32 $0xFFFFC000  }
0x9f: {  	_ =	swait.ge [sflag:s15], $0x4000  }
0xa0: {  	[sflag:s15] =	ssyncset.done $0x0  }
0xa1: {  	[sflag:s15] =	ssyncadd.s32 $0xFFFFC000  }
0xa2: {  	_ =	swait.ge [sflag:s12], $0x4000  }
0xa3: {  	[sflag:s12] =	ssyncset.done $0x0  }
0xa4: {  	[sflag:s12] =	ssyncadd.s32 $0xFFFFC000  }
0xa5: {  	_ =	swait.ge [sflag:s10], $0x4000  }
0xa6: {  	[sflag:s10] =	ssyncset.done $0x0  }
0xa7: {  	[sflag:s10] =	ssyncadd.s32 $0xFFFFC000  }
0xa8: {  	_ =	swait.ge [sflag:s4], $0x4000  }
0xa9: {  	s1 =	rddreg [dreg:$0x1b]  }
0xaa: {  	p1 =	sne.s32 s1, $0x1  }
.Ltmp1:
0xab: {  	_ = 	snop;
	(pc) =	sbr.rel @!p1 .LBB2_3-.Ltmp1, $4  }
0xac: {  	[sflag:s4] =	ssyncset.done $0x0  }
0xad: {  	[sflag:s4] =	ssyncadd.s32 $0xFFFFC000  }
0xae: {  	p0 =	por $0x1, $0x1;
	_ =	swait.ge [sflag:s3], $0x4000  }
0xaf: {  	s0 =	sadd.s32 $0xFFFFFFFF, s1;
	s1 =	rddreg [dreg:$0x3];
	[sflag:s3] =	ssyncset.done $0x0  }
.LBB2_2:
0xb0: {  	[sflag:s3] =	ssyncadd.s32 $0xFFFFC000  }
0xb1: {  	s17 =	smov.u32 s22;
	s22 =	smov.u32 s20;
	s20 =	smov.u32 s16  }
0xb2: {  	s16 =	smov.u32 s13;
	s13 =	smov.u32 s9;
	s9 =	smov.u32 s8  }
0xb3: {  	s8 =	smov.u32 s7;
	s7 =	smov.u32 s5;
	s5 =	rddreg [dreg:$0x4]  }
0xb4: {  	[tilespmem:s2], [sflag:$0x1] =	stream.linear.gather [hbm4b:s1+s2], $0x4000, $0x38;
	[tilespmem:$0x1C000] =	vst v63  }
0xb5: {  	s1 =	rddreg [dreg:$0x5]  }
0xb6: {  	[tilespmem:s6], [sflag:$0x2] =	stream.linear.gather [hbm4b:s5+s2], $0x4000, $0x38;
	[tilespmem:$0x1C000] =	vst v63  }
0xb7: {  	s5 =	rddreg [dreg:$0x6]  }
0xb8: {  	[tilespmem:s29], [sflag:$0x3] =	stream.linear.gather [hbm4b:s1+s2], $0x4000, $0x38;
	[tilespmem:$0x1C000] =	vst v63  }
0xb9: {  	s1 =	rddreg [dreg:$0x7]  }
0xba: {  	[tilespmem:s26], [sflag:$0x4] =	stream.linear.gather [hbm4b:s5+s2], $0x4000, $0x38;
	[tilespmem:$0x1C000] =	vst v63  }
0xbb: {  	s5 =	rddreg [dreg:$0x8]  }
0xbc: {  	[tilespmem:s23], [sflag:$0x5] =	stream.linear.gather [hbm4b:s1+s2], $0x4000, $0x38;
	[tilespmem:$0x1C000] =	vst v63  }
0xbd: {  	s1 =	rddreg [dreg:$0x9]  }
0xbe: {  	[tilespmem:s21], [sflag:$0x6] =	stream.linear.gather [hbm4b:s5+s2], $0x4000, $0x38;
	[tilespmem:$0x1C000] =	vst v63  }
0xbf: {  	s5 =	smov.u32 s7;
	s7 =	smov.u32 s8;
	s8 =	smov.u32 s9  }
0xc0: {  	s9 =	smov.u32 s13;
	s13 =	smov.u32 s16;
	s16 =	smov.u32 s20  }
0xc1: {  	s20 =	smov.u32 s22;
	s22 =	smov.u32 s17;
	s17 =	simm.s32 $0x18000  }
0xc2: {  	[tilespmem:s17], [sflag:$0x7] =	stream.linear.gather [hbm4b:s1+s2], $0x4000, $0x38;
	[tilespmem:$0x1C000] =	vst v63  }
0xc3: {  	_ =	swait.ge [sflag:s14], $0x4000  }
0xc4: {  	[sflag:s14] =	ssyncset.done $0x0  }
0xc5: {  	s1 =	rddreg [dreg:$0xa];
	[sflag:s14] =	ssyncadd.s32 $0xFFFFC000  }
0xc6: {  	[hbm4b:s1+s2] =	stream.linear.scatter [tilespmem:s2], [sflag:$0x8], $0x4000, $0x38;
	[tilespmem:$0x1C000] =	vst v63  }
0xc7: {  	_ =	swait.ge [sflag:s11], $0x4000  }
0xc8: {  	[sflag:s11] =	ssyncset.done $0x0  }
0xc9: {  	s1 =	rddreg [dreg:$0xb];
	[sflag:s11] =	ssyncadd.s32 $0xFFFFC000  }
0xca: {  	[hbm4b:s1+s2] =	stream.linear.scatter [tilespmem:s6], [sflag:$0x9], $0x4000, $0x38;
	[tilespmem:$0x1C000] =	vst v63  }
0xcb: {  	_ =	swait.ge [sflag:s31], $0x4000  }
0xcc: {  	[sflag:s31] =	ssyncset.done $0x0  }
0xcd: {  	s1 =	rddreg [dreg:$0xc];
	[sflag:s31] =	ssyncadd.s32 $0xFFFFC000  }
0xce: {  	[hbm4b:s1+s2] =	stream.linear.scatter [tilespmem:s29], [sflag:$0xA], $0x4000, $0x38;
	[tilespmem:$0x1C000] =	vst v63  }
0xcf: {  	_ =	swait.ge [sflag:s30], $0x4000  }
0xd0: {  	[sflag:s30] =	ssyncset.done $0x0  }
0xd1: {  	s1 =	rddreg [dreg:$0xd];
	[sflag:s30] =	ssyncadd.s32 $0xFFFFC000  }
0xd2: {  	[hbm4b:s1+s2] =	stream.linear.scatter [tilespmem:s26], [sflag:$0xB], $0x4000, $0x38;
	[tilespmem:$0x1C000] =	vst v63  }
0xd3: {  	_ =	swait.ge [sflag:s4], $0x4000  }
0xd4: {  	[sflag:s4] =	ssyncset.done $0x0  }
0xd5: {  	s1 =	rddreg [dreg:$0xe];
	[sflag:s4] =	ssyncadd.s32 $0xFFFFC000  }
0xd6: {  	[tilespmem:s2], [sflag:$0x1] =	stream.linear.gather [hbm4b:s1+s2], $0x4000, $0x38;
	[tilespmem:$0x1C000] =	vst v63  }
0xd7: {  	_ =	swait.ge [sflag:s28], $0x4000  }
0xd8: {  	[sflag:s28] =	ssyncset.done $0x0  }
0xd9: {  	s1 =	rddreg [dreg:$0xf];
	[sflag:s28] =	ssyncadd.s32 $0xFFFFC000  }
0xda: {  	[hbm4b:s1+s2] =	stream.linear.scatter [tilespmem:s23], [sflag:$0xC], $0x4000, $0x38;
	[tilespmem:$0x1C000] =	vst v63  }
0xdb: {  	_ =	swait.ge [sflag:s3], $0x4000  }
0xdc: {  	[sflag:s3] =	ssyncset.done $0x0  }
0xdd: {  	s1 =	rddreg [dreg:$0x10];
	[sflag:s3] =	ssyncadd.s32 $0xFFFFC000  }
0xde: {  	[tilespmem:s6], [sflag:$0x2] =	stream.linear.gather [hbm4b:s1+s2], $0x4000, $0x38;
	[tilespmem:$0x1C000] =	vst v63  }
0xdf: {  	_ =	swait.ge [sflag:s24], $0x4000  }
0xe0: {  	[sflag:s24] =	ssyncset.done $0x0  }
0xe1: {  	s1 =	rddreg [dreg:$0x11];
	[sflag:s24] =	ssyncadd.s32 $0xFFFFC000  }
0xe2: {  	[hbm4b:s1+s2] =	stream.linear.scatter [tilespmem:s21], [sflag:$0xD], $0x4000, $0x38;
	[tilespmem:$0x1C000] =	vst v63  }
0xe3: {  	_ =	swait.ge [sflag:s19], $0x4000  }
0xe4: {  	[sflag:s19] =	ssyncset.done $0x0  }
0xe5: {  	s1 =	rddreg [dreg:$0x12];
	[sflag:s19] =	ssyncadd.s32 $0xFFFFC000  }
0xe6: {  	[tilespmem:s29], [sflag:$0x3] =	stream.linear.gather [hbm4b:s1+s2], $0x4000, $0x38;
	[tilespmem:$0x1C000] =	vst v63  }
0xe7: {  	_ =	swait.ge [sflag:s25], $0x4000  }
0xe8: {  	[sflag:s25] =	ssyncset.done $0x0  }
0xe9: {  	s1 =	rddreg [dreg:$0x13];
	[sflag:s25] =	ssyncadd.s32 $0xFFFFC000  }
0xea: {  	[hbm4b:s1+s2] =	stream.linear.scatter [tilespmem:s17], [sflag:$0xE], $0x4000, $0x38;
	[tilespmem:$0x1C000] =	vst v63  }
0xeb: {  	_ =	swait.ge [sflag:s18], $0x4000  }
0xec: {  	[sflag:s18] =	ssyncset.done $0x0  }
0xed: {  	s1 =	rddreg [dreg:$0x14];
	[sflag:s18] =	ssyncadd.s32 $0xFFFFC000  }
0xee: {  	[tilespmem:s26], [sflag:$0x4] =	stream.linear.gather [hbm4b:s1+s2], $0x4000, $0x38;
	[tilespmem:$0x1C000] =	vst v63  }
0xef: {  	_ =	swait.ge [sflag:s14], $0x4000  }
0xf0: {  	[sflag:s14] =	ssyncset.done $0x0  }
0xf1: {  	s1 =	rddreg [dreg:$0x15];
	[sflag:s14] =	ssyncadd.s32 $0xFFFFC000  }
0xf2: {  	[hbm4b:s1+s2] =	stream.linear.scatter [tilespmem:s2], [sflag:$0x8], $0x4000, $0x38;
	[tilespmem:$0x1C000] =	vst v63  }
0xf3: {  	_ =	swait.ge [sflag:s15], $0x4000  }
0xf4: {  	[sflag:s15] =	ssyncset.done $0x0  }
0xf5: {  	s1 =	rddreg [dreg:$0x16];
	[sflag:s15] =	ssyncadd.s32 $0xFFFFC000  }
0xf6: {  	[tilespmem:s23], [sflag:$0x5] =	stream.linear.gather [hbm4b:s1+s2], $0x4000, $0x38;
	[tilespmem:$0x1C000] =	vst v63  }
0xf7: {  	_ =	swait.ge [sflag:s11], $0x4000  }
0xf8: {  	[sflag:s11] =	ssyncset.done $0x0  }
0xf9: {  	s1 =	rddreg [dreg:$0x17];
	[sflag:s11] =	ssyncadd.s32 $0xFFFFC000  }
0xfa: {  	[hbm4b:s1+s2] =	stream.linear.scatter [tilespmem:s6], [sflag:$0x9], $0x4000, $0x38;
	[tilespmem:$0x1C000] =	vst v63  }
0xfb: {  	_ =	swait.ge [sflag:s12], $0x4000  }
0xfc: {  	[sflag:s12] =	ssyncset.done $0x0  }
0xfd: {  	s1 =	rddreg [dreg:$0x18];
	[sflag:s12] =	ssyncadd.s32 $0xFFFFC000  }
0xfe: {  	[tilespmem:s21], [sflag:$0x6] =	stream.linear.gather [hbm4b:s1+s2], $0x4000, $0x38;
	[tilespmem:$0x1C000] =	vst v63  }
0xff: {  	_ =	swait.ge [sflag:s31], $0x4000  }
0x100: {  	[sflag:s31] =	ssyncset.done $0x0  }
0x101: {  	s1 =	rddreg [dreg:$0x19];
	[sflag:s31] =	ssyncadd.s32 $0xFFFFC000  }
0x102: {  	[hbm4b:s1+s2] =	stream.linear.scatter [tilespmem:s29], [sflag:$0xA], $0x4000, $0x38;
	[tilespmem:$0x1C000] =	vst v63  }
0x103: {  	_ =	swait.ge [sflag:s10], $0x4000  }
0x104: {  	[sflag:s10] =	ssyncset.done $0x0  }
0x105: {  	s1 =	rddreg [dreg:$0x1a];
	[sflag:s10] =	ssyncadd.s32 $0xFFFFC000  }
0x106: {  	[tilespmem:s17], [sflag:$0x7] =	stream.linear.gather [hbm4b:s1+s2], $0x4000, $0x38;
	[tilespmem:$0x1C000] =	vst v63  }
0x107: {  	_ =	swait.ge [sflag:s30], $0x4000  }
0x108: {  	[sflag:s30] =	ssyncset.done $0x0  }
0x109: {  	[sflag:s30] =	ssyncadd.s32 $0xFFFFC000  }
0x10a: {  	[hbm4b:s22+s2] =	stream.linear.scatter [tilespmem:s26], [sflag:$0xB], $0x4000, $0x38;
	[tilespmem:$0x1C000] =	vst v63  }
0x10b: {  	_ =	swait.ge [sflag:s4], $0x4000  }
0x10c: {  	[sflag:s4] =	ssyncset.done $0x0  }
0x10d: {  	[sflag:s4] =	ssyncadd.s32 $0xFFFFC000  }
0x10e: {  	[tilespmem:s2], [sflag:$0x1] =	stream.linear.gather [hbm4b:s20+s2], $0x4000, $0x38;
	[tilespmem:$0x1C000] =	vst v63  }
0x10f: {  	_ =	swait.ge [sflag:s28], $0x4000  }
0x110: {  	[sflag:s28] =	ssyncset.done $0x0  }
0x111: {  	[sflag:s28] =	ssyncadd.s32 $0xFFFFC000  }
0x112: {  	[hbm4b:s16+s2] =	stream.linear.scatter [tilespmem:s23], [sflag:$0xC], $0x4000, $0x38;
	[tilespmem:$0x1C000] =	vst v63  }
0x113: {  	_ =	swait.ge [sflag:s3], $0x4000  }
0x114: {  	[sflag:s3] =	ssyncset.done $0x0  }
0x115: {  	[sflag:s3] =	ssyncadd.s32 $0xFFFFC000  }
0x116: {  	[tilespmem:s6], [sflag:$0x2] =	stream.linear.gather [hbm4b:s13+s2], $0x4000, $0x38;
	[tilespmem:$0x1C000] =	vst v63  }
0x117: {  	_ =	swait.ge [sflag:s24], $0x4000  }
0x118: {  	[sflag:s24] =	ssyncset.done $0x0  }
0x119: {  	[sflag:s24] =	ssyncadd.s32 $0xFFFFC000  }
0x11a: {  	[hbm4b:s9+s2] =	stream.linear.scatter [tilespmem:s21], [sflag:$0xD], $0x4000, $0x38;
	[tilespmem:$0x1C000] =	vst v63  }
0x11b: {  	_ =	swait.ge [sflag:s25], $0x4000  }
0x11c: {  	[sflag:s25] =	ssyncset.done $0x0  }
0x11d: {  	[sflag:s25] =	ssyncadd.s32 $0xFFFFC000  }
0x11e: {  	[hbm4b:s8+s2] =	stream.linear.scatter [tilespmem:s17], [sflag:$0xE], $0x4000, $0x38;
	[tilespmem:$0x1C000] =	vst v63  }
0x11f: {  	_ =	swait.ge [sflag:s14], $0x4000  }
0x120: {  	[sflag:s14] =	ssyncset.done $0x0  }
0x121: {  	[sflag:s14] =	ssyncadd.s32 $0xFFFFC000  }
0x122: {  	[hbm4b:s7+s2] =	stream.linear.scatter [tilespmem:s2], [sflag:$0x8], $0x4000, $0x38;
	[tilespmem:$0x1C000] =	vst v63  }
0x123: {  	_ =	swait.ge [sflag:s11], $0x4000  }
0x124: {  	[sflag:s11] =	ssyncset.done $0x0  }
0x125: {  	[sflag:s11] =	ssyncadd.s32 $0xFFFFC000  }
0x126: {  	[hbm4b:s5+s2] =	stream.linear.scatter [tilespmem:s6], [sflag:$0x9], $0x4000, $0x38;
	[tilespmem:$0x1C000] =	vst v63  }
0x127: {  	_ =	swait.ge [sflag:s19], $0x4000  }
0x128: {  	[sflag:s19] =	ssyncset.done $0x0  }
0x129: {  	[sflag:s19] =	ssyncadd.s32 $0xFFFFC000  }
0x12a: {  	_ =	swait.ge [sflag:s18], $0x4000  }
0x12b: {  	[sflag:s18] =	ssyncset.done $0x0  }
0x12c: {  	[sflag:s18] =	ssyncadd.s32 $0xFFFFC000  }
0x12d: {  	_ =	swait.ge [sflag:s15], $0x4000  }
0x12e: {  	[sflag:s15] =	ssyncset.done $0x0  }
0x12f: {  	[sflag:s15] =	ssyncadd.s32 $0xFFFFC000  }
0x130: {  	_ =	swait.ge [sflag:s12], $0x4000  }
0x131: {  	[sflag:s12] =	ssyncset.done $0x0  }
0x132: {  	[sflag:s12] =	ssyncadd.s32 $0xFFFFC000  }
0x133: {  	_ =	swait.ge [sflag:s10], $0x4000  }
0x134: {  	[sflag:s10] =	ssyncset.done $0x0  }
0x135: {  	p1 =	sne.s32 s0, $0x1;
	[sflag:s10] =	ssyncadd.s32 $0xFFFFC000  }
.Ltmp2:
0x136: {  	_ =	swait.ge [sflag:s4], $0x4000;
	(pc) =	sbr.rel @p1 .LBB2_2-.Ltmp2, $4  }
0x137: {  	[sflag:s4] =	ssyncset.done $0x0  }
0x138: {  	[sflag:s4] =	ssyncadd.s32 $0xFFFFC000  }
0x139: {  	_ =	swait.ge [sflag:s3], $0x4000  }
0x13a: {  	s0 =	sadd.s32 $0xFFFFFFFF, s0;
	s1 =	rddreg [dreg:$0x3];
	[sflag:s3] =	ssyncset.done $0x0  }
.LBB2_3:
0x13b: {  	[sflag:s3] =	ssyncadd.s32 @p0 $0xFFFFC000  }
0x13c: {  	[tilespmem:s2], [sflag:$0x1] =	stream.linear.gather [hbm4b:s1+s2], $0x4000, $0x38;
	[tilespmem:$0x1C000] =	vst v63  }
0x13d: {  	s0 =	rddreg [dreg:$0x4]  }
0x13e: {  	[tilespmem:s6], [sflag:$0x2] =	stream.linear.gather [hbm4b:s0+s2], $0x4000, $0x38;
	[tilespmem:$0x1C000] =	vst v63  }
0x13f: {  	s1 =	rddreg [dreg:$0x5]  }
0x140: {  	[tilespmem:s29], [sflag:$0x3] =	stream.linear.gather [hbm4b:s1+s2], $0x4000, $0x38;
	[tilespmem:$0x1C000] =	vst v63  }
0x141: {  	s0 =	rddreg [dreg:$0x6]  }
0x142: {  	[tilespmem:s26], [sflag:$0x4] =	stream.linear.gather [hbm4b:s0+s2], $0x4000, $0x38;
	[tilespmem:$0x1C000] =	vst v63  }
0x143: {  	s1 =	rddreg [dreg:$0x7]  }
0x144: {  	[tilespmem:s23], [sflag:$0x5] =	stream.linear.gather [hbm4b:s1+s2], $0x4000, $0x38;
	[tilespmem:$0x1C000] =	vst v63  }
0x145: {  	s0 =	rddreg [dreg:$0x8]  }
0x146: {  	[tilespmem:s21], [sflag:$0x6] =	stream.linear.gather [hbm4b:s0+s2], $0x4000, $0x38;
	[tilespmem:$0x1C000] =	vst v63  }
0x147: {  	s1 =	rddreg [dreg:$0x9]  }
0x148: {  	[tilespmem:s17], [sflag:$0x7] =	stream.linear.gather [hbm4b:s1+s2], $0x4000, $0x38;
	[tilespmem:$0x1C000] =	vst v63  }
0x149: {  	_ =	swait.ge [sflag:s14], $0x4000  }
0x14a: {  	[sflag:s14] =	ssyncset.done $0x0  }
0x14b: {  	s1 =	rddreg [dreg:$0xa];
	[sflag:s14] =	ssyncadd.s32 $0xFFFFC000  }
0x14c: {  	[hbm4b:s1+s2] =	stream.linear.scatter [tilespmem:s2], [sflag:$0x8], $0x4000, $0x38;
	[tilespmem:$0x1C000] =	vst v63  }
0x14d: {  	_ =	swait.ge [sflag:s11], $0x4000  }
0x14e: {  	[sflag:s11] =	ssyncset.done $0x0  }
0x14f: {  	s1 =	rddreg [dreg:$0xb];
	[sflag:s11] =	ssyncadd.s32 $0xFFFFC000  }
0x150: {  	[hbm4b:s1+s2] =	stream.linear.scatter [tilespmem:s6], [sflag:$0x9], $0x4000, $0x38;
	[tilespmem:$0x1C000] =	vst v63  }
0x151: {  	_ =	swait.ge [sflag:s31], $0x4000  }
0x152: {  	[sflag:s31] =	ssyncset.done $0x0  }
0x153: {  	s1 =	rddreg [dreg:$0xc];
	[sflag:s31] =	ssyncadd.s32 $0xFFFFC000  }
0x154: {  	[hbm4b:s1+s2] =	stream.linear.scatter [tilespmem:s29], [sflag:$0xA], $0x4000, $0x38;
	[tilespmem:$0x1C000] =	vst v63  }
0x155: {  	_ =	swait.ge [sflag:s30], $0x4000  }
0x156: {  	[sflag:s30] =	ssyncset.done $0x0  }
0x157: {  	s1 =	rddreg [dreg:$0xd];
	[sflag:s30] =	ssyncadd.s32 $0xFFFFC000  }
0x158: {  	[hbm4b:s1+s2] =	stream.linear.scatter [tilespmem:s26], [sflag:$0xB], $0x4000, $0x38;
	[tilespmem:$0x1C000] =	vst v63  }
0x159: {  	_ =	swait.ge [sflag:s4], $0x4000  }
0x15a: {  	[sflag:s4] =	ssyncset.done $0x0  }
0x15b: {  	s1 =	rddreg [dreg:$0xe];
	[sflag:s4] =	ssyncadd.s32 $0xFFFFC000  }
0x15c: {  	[tilespmem:s2], [sflag:$0x1] =	stream.linear.gather [hbm4b:s1+s2], $0x4000, $0x38;
	[tilespmem:$0x1C000] =	vst v63  }
0x15d: {  	_ =	swait.ge [sflag:s28], $0x4000  }
0x15e: {  	[sflag:s28] =	ssyncset.done $0x0  }
0x15f: {  	s1 =	rddreg [dreg:$0xf];
	[sflag:s28] =	ssyncadd.s32 $0xFFFFC000  }
0x160: {  	[hbm4b:s1+s2] =	stream.linear.scatter [tilespmem:s23], [sflag:$0xC], $0x4000, $0x38;
	[tilespmem:$0x1C000] =	vst v63  }
0x161: {  	_ =	swait.ge [sflag:s3], $0x4000  }
0x162: {  	[sflag:s3] =	ssyncset.done $0x0  }
0x163: {  	s1 =	rddreg [dreg:$0x10];
	[sflag:s3] =	ssyncadd.s32 $0xFFFFC000  }
0x164: {  	[tilespmem:s6], [sflag:$0x2] =	stream.linear.gather [hbm4b:s1+s2], $0x4000, $0x38;
	[tilespmem:$0x1C000] =	vst v63  }
0x165: {  	_ =	swait.ge [sflag:s24], $0x4000  }
0x166: {  	[sflag:s24] =	ssyncset.done $0x0  }
0x167: {  	s1 =	rddreg [dreg:$0x11];
	[sflag:s24] =	ssyncadd.s32 $0xFFFFC000  }
0x168: {  	[hbm4b:s1+s2] =	stream.linear.scatter [tilespmem:s21], [sflag:$0xD], $0x4000, $0x38;
	[tilespmem:$0x1C000] =	vst v63  }
0x169: {  	_ =	swait.ge [sflag:s19], $0x4000  }
0x16a: {  	[sflag:s19] =	ssyncset.done $0x0  }
0x16b: {  	s1 =	rddreg [dreg:$0x12];
	[sflag:s19] =	ssyncadd.s32 $0xFFFFC000  }
0x16c: {  	[tilespmem:s29], [sflag:$0x3] =	stream.linear.gather [hbm4b:s1+s2], $0x4000, $0x38;
	[tilespmem:$0x1C000] =	vst v63  }
0x16d: {  	_ =	swait.ge [sflag:s25], $0x4000  }
0x16e: {  	[sflag:s25] =	ssyncset.done $0x0  }
0x16f: {  	s1 =	rddreg [dreg:$0x13];
	[sflag:s25] =	ssyncadd.s32 $0xFFFFC000  }
0x170: {  	[hbm4b:s1+s2] =	stream.linear.scatter [tilespmem:s17], [sflag:$0xE], $0x4000, $0x38;
	[tilespmem:$0x1C000] =	vst v63  }
0x171: {  	_ =	swait.ge [sflag:s18], $0x4000  }
0x172: {  	[sflag:s18] =	ssyncset.done $0x0  }
0x173: {  	s1 =	rddreg [dreg:$0x14];
	[sflag:s18] =	ssyncadd.s32 $0xFFFFC000  }
0x174: {  	[tilespmem:s26], [sflag:$0x4] =	stream.linear.gather [hbm4b:s1+s2], $0x4000, $0x38;
	[tilespmem:$0x1C000] =	vst v63  }
0x175: {  	_ =	swait.ge [sflag:s14], $0x4000  }
0x176: {  	[sflag:s14] =	ssyncset.done $0x0  }
0x177: {  	s1 =	rddreg [dreg:$0x15];
	[sflag:s14] =	ssyncadd.s32 $0xFFFFC000  }
0x178: {  	[hbm4b:s1+s2] =	stream.linear.scatter [tilespmem:s2], [sflag:$0x8], $0x4000, $0x38;
	[tilespmem:$0x1C000] =	vst v63  }
0x179: {  	_ =	swait.ge [sflag:s15], $0x4000  }
0x17a: {  	[sflag:s15] =	ssyncset.done $0x0  }
0x17b: {  	s1 =	rddreg [dreg:$0x16];
	[sflag:s15] =	ssyncadd.s32 $0xFFFFC000  }
0x17c: {  	[tilespmem:s23], [sflag:$0x5] =	stream.linear.gather [hbm4b:s1+s2], $0x4000, $0x38;
	[tilespmem:$0x1C000] =	vst v63  }
0x17d: {  	_ =	swait.ge [sflag:s11], $0x4000  }
0x17e: {  	[sflag:s11] =	ssyncset.done $0x0  }
0x17f: {  	s1 =	rddreg [dreg:$0x17];
	[sflag:s11] =	ssyncadd.s32 $0xFFFFC000  }
0x180: {  	[hbm4b:s1+s2] =	stream.linear.scatter [tilespmem:s6], [sflag:$0x9], $0x4000, $0x38;
	[tilespmem:$0x1C000] =	vst v63  }
0x181: {  	_ =	swait.ge [sflag:s12], $0x4000  }
0x182: {  	[sflag:s12] =	ssyncset.done $0x0  }
0x183: {  	s1 =	rddreg [dreg:$0x18];
	[sflag:s12] =	ssyncadd.s32 $0xFFFFC000  }
0x184: {  	[tilespmem:s21], [sflag:$0x6] =	stream.linear.gather [hbm4b:s1+s2], $0x4000, $0x38;
	[tilespmem:$0x1C000] =	vst v63  }
0x185: {  	_ =	swait.ge [sflag:s31], $0x4000  }
0x186: {  	[sflag:s31] =	ssyncset.done $0x0  }
0x187: {  	s1 =	rddreg [dreg:$0x19];
	[sflag:s31] =	ssyncadd.s32 $0xFFFFC000  }
0x188: {  	[hbm4b:s1+s2] =	stream.linear.scatter [tilespmem:s29], [sflag:$0xA], $0x4000, $0x38;
	[tilespmem:$0x1C000] =	vst v63  }
0x189: {  	_ =	swait.ge [sflag:s10], $0x4000  }
0x18a: {  	[sflag:s10] =	ssyncset.done $0x0  }
0x18b: {  	s29 =	rddreg [dreg:$0x1a];
	[sflag:s10] =	ssyncadd.s32 $0xFFFFC000  }
0x18c: {  	[tilespmem:s17], [sflag:$0x7] =	stream.linear.gather [hbm4b:s29+s2], $0x4000, $0x38;
	[tilespmem:$0x1C000] =	vst v63  }
0x18d: {  	_ =	swait.ge [sflag:s30], $0x4000  }
0x18e: {  	[sflag:s30] =	ssyncset.done $0x0  }
0x18f: {  	[sflag:s30] =	ssyncadd.s32 $0xFFFFC000  }
0x190: {  	[hbm4b:s22+s2] =	stream.linear.scatter [tilespmem:s26], [sflag:$0xB], $0x4000, $0x38;
	[tilespmem:$0x1C000] =	vst v63  }
0x191: {  	_ =	swait.ge [sflag:s4], $0x4000  }
0x192: {  	[sflag:s4] =	ssyncset.done $0x0  }
0x193: {  	[sflag:s4] =	ssyncadd.s32 $0xFFFFC000  }
0x194: {  	[tilespmem:s2], [sflag:$0x1] =	stream.linear.gather [hbm4b:s20+s2], $0x4000, $0x38;
	[tilespmem:$0x1C000] =	vst v63  }
0x195: {  	_ =	swait.ge [sflag:s28], $0x4000  }
0x196: {  	[sflag:s28] =	ssyncset.done $0x0  }
0x197: {  	[sflag:s28] =	ssyncadd.s32 $0xFFFFC000  }
0x198: {  	[hbm4b:s16+s2] =	stream.linear.scatter [tilespmem:s23], [sflag:$0xC], $0x4000, $0x38;
	[tilespmem:$0x1C000] =	vst v63  }
0x199: {  	_ =	swait.ge [sflag:s3], $0x4000  }
0x19a: {  	[sflag:s3] =	ssyncset.done $0x0  }
0x19b: {  	[sflag:s3] =	ssyncadd.s32 $0xFFFFC000  }
0x19c: {  	[tilespmem:s6], [sflag:$0x2] =	stream.linear.gather [hbm4b:s13+s2], $0x4000, $0x38;
	[tilespmem:$0x1C000] =	vst v63  }
0x19d: {  	_ =	swait.ge [sflag:s24], $0x4000  }
0x19e: {  	[sflag:s24] =	ssyncset.done $0x0  }
0x19f: {  	[sflag:s24] =	ssyncadd.s32 $0xFFFFC000  }
0x1a0: {  	[hbm4b:s9+s2] =	stream.linear.scatter [tilespmem:s21], [sflag:$0xD], $0x4000, $0x38;
	[tilespmem:$0x1C000] =	vst v63  }
0x1a1: {  	_ =	swait.ge [sflag:s25], $0x4000  }
0x1a2: {  	[sflag:s25] =	ssyncset.done $0x0  }
0x1a3: {  	[sflag:s25] =	ssyncadd.s32 $0xFFFFC000  }
0x1a4: {  	[hbm4b:s8+s2] =	stream.linear.scatter [tilespmem:s17], [sflag:$0xE], $0x4000, $0x38;
	[tilespmem:$0x1C000] =	vst v63  }
0x1a5: {  	_ =	swait.ge [sflag:s14], $0x4000  }
0x1a6: {  	[sflag:s14] =	ssyncset.done $0x0  }
0x1a7: {  	[sflag:s14] =	ssyncadd.s32 $0xFFFFC000  }
0x1a8: {  	[hbm4b:s7+s2] =	stream.linear.scatter [tilespmem:s2], [sflag:$0x8], $0x4000, $0x38;
	[tilespmem:$0x1C000] =	vst v63  }
0x1a9: {  	_ =	swait.ge [sflag:s11], $0x4000  }
0x1aa: {  	[sflag:s11] =	ssyncset.done $0x0  }
0x1ab: {  	[sflag:s11] =	ssyncadd.s32 $0xFFFFC000  }
0x1ac: {  	[hbm4b:s5+s2] =	stream.linear.scatter [tilespmem:s6], [sflag:$0x9], $0x4000, $0x38;
	[tilespmem:$0x1C000] =	vst v63  }
0x1ad: {  	_ =	swait.ge [sflag:s19], $0x4000  }
0x1ae: {  	[sflag:s19] =	ssyncset.done $0x0  }
0x1af: {  	[sflag:s19] =	ssyncadd.s32 $0xFFFFC000  }
0x1b0: {  	_ =	swait.ge [sflag:s18], $0x4000  }
0x1b1: {  	[sflag:s18] =	ssyncset.done $0x0  }
0x1b2: {  	[sflag:s18] =	ssyncadd.s32 $0xFFFFC000  }
0x1b3: {  	_ =	swait.ge [sflag:s15], $0x4000  }
0x1b4: {  	[sflag:s15] =	ssyncset.done $0x0  }
0x1b5: {  	[sflag:s15] =	ssyncadd.s32 $0xFFFFC000  }
0x1b6: {  	_ =	swait.ge [sflag:s12], $0x4000  }
0x1b7: {  	[sflag:s12] =	ssyncset.done $0x0  }
0x1b8: {  	[sflag:s12] =	ssyncadd.s32 $0xFFFFC000  }
0x1b9: {  	_ =	swait.ge [sflag:s10], $0x4000  }
0x1ba: {  	[sflag:s10] =	ssyncset.done $0x0  }
0x1bb: {  	[sflag:s10] =	ssyncadd.s32 $0xFFFFC000  }
0x1bc: {  	_ =	swait.ge [sflag:s4], $0x4000  }
0x1bd: {  	[sflag:s4] =	ssyncset.done $0x0  }
0x1be: {  	[sflag:s4] =	ssyncadd.s32 $0xFFFFC000  }
0x1bf: {  	_ =	swait.ge [sflag:s3], $0x4000  }
0x1c0: {  	[sflag:s3] =	ssyncset.done $0x0  }
0x1c1: {  	[sflag:s3] =	ssyncadd.s32 $0xFFFFC000  }
0x1c2: {  	_ =	sfence.sel $0x180000  }
0x1c3: {  	[bflag:$0x0] =	sbarrier.arrive $0xFFFF  }
0x1c4: {  	_ =	strace $0x90000047  }
0x1c5: {  	s31 =	stileid.u32;
	[bflag:$0x2] =	sbarrier.arrive $0xFFFF  }
0x1c6: {  	p0 =	sne.s32 s31, $0x0;
	s0 =	rddreg [dreg:$0x2]  }
0x1c7: {  	s0 =	sadd.s32 @!p0 $0x100000, s0  }
0x1c8: {  	[sflag:s0] =	ssyncadd.tile.s32 @!p0 $0x1;
	_ =	shalt  }
.Lfunc_end2:
_tile_overlayer_lowered:
.L_overlay_start_2:
0x1c9: {  	(tag) =	ssettag $0x2  }
0x1ca: {  	s0 =	rddreg [dreg:$0x0];
	s2 =	stileid.u32  }
0x1cb: {  	s1 =	rddreg [dreg:$0x1];
	p0 =	sne.s32 s2, $0x0  }
0x1cc: {  	s3 =	rddreg [dreg:$0x2];
	[bflag:$0x3] =	sbarrier.arrive $0xFFFF;
	s2 =	simm.s32 @!p0 $0x1C0F  }
0x1cd: {  	[timem:s3], [sflag:s2] =	dma.local @!p0 [hbm:s0], s1  }
0x1ce: {  	s0 =	simm.s32 @!p0 $0xF  }
0x1cf: {  	_ =	swait.ge @!p0 [sflag:s0], s1  }
0x1d0: {  	s1 =	ssub.s32 @!p0 $0x0, s1;
	[sflag:s0] =	ssyncset.done @!p0 $0x0  }
0x1d1: {  	[sflag:s0] =	ssyncadd.s32 @!p0 s1  }
0x1d2: {  	[bflag:$0x3] =	sbarrier.arrive $0xFFFF  }
0x1d3: {  	_ =	shalt  }

</sc_bundles>
